<compile_context>
chip_gen: v7x
topology: tpu7x:2x2x1
jax: 0.10.2.dev20260603
libtpu: 0.0.44.dev20260713+nightly
codegen_flags: <defaults>
</compile_context>

<pallas_src>
import jax
import jax.numpy as jnp
from jax import lax
from jax.experimental import pallas as pl
from jax.experimental.pallas import tpu as pltpu
from jax.experimental.pallas import tpu_sc as plsc

_D = 128
_B = 4096
_S = 200
_LANES = 16
_NW = 32
_RPW = _B // _NW
_C0 = 128
_C1 = _S - _C0


def _body(ids_hbm, langids_hbm, tok_hbm, lang_hbm, out_hbm,
          idx_v, langids_v, langrows_v, rows0, rows1,
          gsem0, gsem1, osem0, osem1, seml):
    nc = 2
    wid = lax.axis_index("c") * (_NW // nc) + lax.axis_index("s")
    row0 = wid * _RPW
    rows_v = (rows0, rows1)
    gsem = (gsem0, gsem1)
    osem = (osem0, osem1)

    pltpu.sync_copy(ids_hbm.at[pl.ds(row0 * _S, _RPW * _S)], idx_v)
    pltpu.sync_copy(langids_hbm.at[pl.ds(row0, _RPW)], langids_v)
    pltpu.async_copy(lang_hbm.at[langids_v], langrows_v, seml).wait()

    def addlang(i, b):
        lv = [langrows_v[i, pl.ds(l * _LANES, _LANES)]
              for l in range(_D // _LANES)]

        def one(r, _):
            for l in range(_D // _LANES):
                sl = pl.ds(l * _LANES, _LANES)
                rows_v[b][r, sl] = rows_v[b][r, sl] + lv[l]
            return 0

        lax.fori_loop(0, _S, one, 0)

    def gstart(i, b):
        base = i * _S
        pltpu.async_copy(tok_hbm.at[idx_v.at[pl.ds(base, _C0)]],
                         rows_v[b].at[pl.ds(0, _C0)], gsem[b])
        pltpu.async_copy(tok_hbm.at[idx_v.at[pl.ds(base + _C0, _C1)]],
                         rows_v[b].at[pl.ds(_C0, _C1)], gsem[b])

    def gwait(b):
        pltpu.make_async_copy(tok_hbm.at[pl.ds(0, _C0)],
                              rows_v[b].at[pl.ds(0, _C0)], gsem[b]).wait()
        pltpu.make_async_copy(tok_hbm.at[pl.ds(0, _C1)],
                              rows_v[b].at[pl.ds(_C0, _C1)], gsem[b]).wait()

    def ostart(i, b):
        pltpu.async_copy(rows_v[b], out_hbm.at[pl.ds((row0 + i) * _S, _S)],
                         osem[b])

    def owait(b):
        pltpu.make_async_copy(rows_v[b], out_hbm.at[pl.ds(0, _S)],
                              osem[b]).wait()

    gstart(0, 0)

    def outer(g, _):
        a = 2 * g
        lax.cond(g > 0, lambda: owait(1), lambda: None)
        gstart(a + 1, 1)
        gwait(0)
        addlang(a, 0)
        ostart(a, 0)
        def stage_next():
            owait(0)
            gstart(a + 2, 0)
        lax.cond(g < _RPW // 2 - 1, stage_next, lambda: None)
        gwait(1)
        addlang(a + 1, 1)
        ostart(a + 1, 1)
        return 0

    lax.fori_loop(0, _RPW // 2, outer, 0)
    owait(0)
    owait(1)


@jax.jit
def _run(ids_flat, language_ids, token_table, language_table):
    mesh = plsc.VectorSubcoreMesh(core_axis_name="c", subcore_axis_name="s")
    fn = pl.kernel(
        _body,
        out_type=jax.ShapeDtypeStruct((_B * _S, _D), jnp.float32),
        mesh=mesh,
        scratch_types=[
            pltpu.VMEM((_RPW * _S,), jnp.int32),
            pltpu.VMEM((_RPW,), jnp.int32),
            pltpu.VMEM((_RPW, _D), jnp.float32),
            pltpu.VMEM((_S, _D), jnp.float32),
            pltpu.VMEM((_S, _D), jnp.float32),
            pltpu.SemaphoreType.DMA,
            pltpu.SemaphoreType.DMA,
            pltpu.SemaphoreType.DMA,
            pltpu.SemaphoreType.DMA,
            pltpu.SemaphoreType.DMA,
        ],
    )
    return fn(ids_flat, language_ids, token_table, language_table)


def kernel(input_ids, language_ids, token_table, language_table):
    ids_flat = input_ids.reshape(-1).astype(jnp.int32)
    lang_ids = language_ids.astype(jnp.int32)
    out = _run(ids_flat, lang_ids, token_table, language_table)
    return out.reshape(_B, _S, _D)

# --- scband reference (transcript-rebuilt; emitter-appended) ---
"""Pipeline reference for scband-multi-lingual-embedding-45603962749319 (READ-ONLY COPY).

The authoritative reference and input builder live on the scoring server;
editing this copy changes nothing except your own understanding.
"""

import jax, jax.numpy as jnp
import numpy as np

VOCAB_SIZE = 100000
EMBED_DIM = 128
NUM_LANGUAGES = 10
BATCH = 4096
SEQ_LEN = 200

def setup_inputs(seed: int = 0) -> dict:
    key = jax.random.key(seed)
    k1, k2, k3, k4 = jax.random.split(key, 4)
    input_ids = jax.random.randint(k1, (BATCH, SEQ_LEN), 0, VOCAB_SIZE, dtype=jnp.int64 if jax.config.jax_enable_x64 else jnp.int32)
    language_ids = jax.random.randint(k2, (BATCH,), 0, NUM_LANGUAGES, dtype=jnp.int64 if jax.config.jax_enable_x64 else jnp.int32)
    token_table = jax.random.normal(k3, (VOCAB_SIZE, EMBED_DIM), dtype=jnp.float32)
    language_table = jax.random.normal(k4, (NUM_LANGUAGES, EMBED_DIM), dtype=jnp.float32)
    return {"input_ids": input_ids, "language_ids": language_ids, "token_table": token_table, "language_table": language_table}

def reference(input_ids, language_ids, token_table, language_table):
    # token embedding lookup: (B, S, D)
    token_emb = jnp.take(token_table, input_ids, axis=0)
    # language embedding lookup: (B, D)
    lang_emb = jnp.take(language_table, language_ids, axis=0)
    # broadcast-add language embedding across sequence dim
    out = token_emb + lang_emb[:, None, :]
    return out

if __name__ == "__main__":
    import jax
    _d = setup_inputs()
    print(jax.jit(kernel)(*tuple(_d.values())))

</pallas_src>

<mosaic_0001>
#map = affine_map<(d0, d1) -> (0)>
#map1 = affine_map<(d0, d1) -> (0, 0)>
module attributes {stable_mosaic.version = 14 : i64} {
  func.func @_body(%arg0: i32, %arg1: i32, %arg2: memref<819200xi32, #tpu.memory_space<hbm>>, %arg3: memref<4096xi32, #tpu.memory_space<hbm>>, %arg4: memref<100000x128xf32, #tpu.memory_space<hbm>>, %arg5: memref<10x128xf32, #tpu.memory_space<hbm>>, %arg6: memref<819200x128xf32, #tpu.memory_space<hbm>>, %arg7: memref<25600xi32, #tpu.memory_space<vmem>>, %arg8: memref<128xi32, #tpu.memory_space<vmem>>, %arg9: memref<128x128xf32, #tpu.memory_space<vmem>>, %arg10: memref<200x128xf32, #tpu.memory_space<vmem>>, %arg11: memref<200x128xf32, #tpu.memory_space<vmem>>, %arg12: memref<!tpu.dma_semaphore, #tpu.memory_space<semaphore_mem>>, %arg13: memref<!tpu.dma_semaphore, #tpu.memory_space<semaphore_mem>>, %arg14: memref<!tpu.dma_semaphore, #tpu.memory_space<semaphore_mem>>, %arg15: memref<!tpu.dma_semaphore, #tpu.memory_space<semaphore_mem>>, %arg16: memref<!tpu.dma_semaphore, #tpu.memory_space<semaphore_mem>>) attributes {dimension_semantics = [#tpu.dimension_semantics<core_parallel>, #tpu.dimension_semantics<subcore_parallel>], iteration_bounds = array<i64: 2, 16>, scalar_prefetch = 0 : i64, scratch_operands = 10 : i64, tpu.core_type = #tpu.core_type<sc_vector_subcore>, window_params = [{transform_indices = #map}, {transform_indices = #map}, {transform_indices = #map1}, {transform_indices = #map1}, {transform_indices = #map1}]} {
    %mul3A = arith.constant 16 : i32
    %mul3A_0 = arith.muli %arg0, %mul3A : i32
    %add3A = arith.addi %mul3A_0, %arg1 : i32
    %mul3A_1 = arith.constant 128 : i32
    %mul3A_2 = arith.muli %add3A, %mul3A_1 : i32
    %mul3A_3 = arith.constant 200 : i32
    %mul3A_4 = arith.muli %mul3A_2, %mul3A_3 : i32
    "tpu.region"() ({
      %run_scoped3A = tpu.sem_alloc : memref<!tpu.dma_semaphore, #tpu.memory_space<semaphore_mem>>
      %dma_start3A_43 = tpu.memref_slice %arg2[%mul3A_4] : memref<819200xi32, #tpu.memory_space<hbm>> -> memref<25600xi32, #tpu.memory_space<hbm>>
      %dma_start3A_44 = tpu.memref_slice %arg2[%mul3A_4] : memref<819200xi32, #tpu.memory_space<hbm>> -> memref<25600xi32, #tpu.memory_space<hbm>>
      tpu.enqueue_dma source(%dma_start3A_44 : memref<25600xi32, #tpu.memory_space<hbm>>) target(%arg7 : memref<25600xi32, #tpu.memory_space<vmem>>) target_semaphore(%run_scoped3A : memref<!tpu.dma_semaphore, #tpu.memory_space<semaphore_mem>>)
      %dma_wait3A_45 = tpu.memref_slice %arg2[%mul3A_4] : memref<819200xi32, #tpu.memory_space<hbm>> -> memref<25600xi32, #tpu.memory_space<hbm>>
      %dma_wait3A_46 = tpu.memref_slice %arg2[%mul3A_4] : memref<819200xi32, #tpu.memory_space<hbm>> -> memref<25600xi32, #tpu.memory_space<hbm>>
      tpu.wait_dma2 semaphore(%run_scoped3A : memref<!tpu.dma_semaphore, #tpu.memory_space<semaphore_mem>>) src(%dma_wait3A_46 : memref<25600xi32, #tpu.memory_space<hbm>>) dst(%arg7 : memref<25600xi32, #tpu.memory_space<vmem>>)
      tpu.yield
    }) : () -> ()
    "tpu.region"() ({
      %run_scoped3A = tpu.sem_alloc : memref<!tpu.dma_semaphore, #tpu.memory_space<semaphore_mem>>
      %dma_start3A_43 = tpu.memref_slice %arg3[%mul3A_2] : memref<4096xi32, #tpu.memory_space<hbm>> -> memref<128xi32, #tpu.memory_space<hbm>>
      %dma_start3A_44 = tpu.memref_slice %arg3[%mul3A_2] : memref<4096xi32, #tpu.memory_space<hbm>> -> memref<128xi32, #tpu.memory_space<hbm>>
      tpu.enqueue_dma source(%dma_start3A_44 : memref<128xi32, #tpu.memory_space<hbm>>) target(%arg8 : memref<128xi32, #tpu.memory_space<vmem>>) target_semaphore(%run_scoped3A : memref<!tpu.dma_semaphore, #tpu.memory_space<semaphore_mem>>)
      %dma_wait3A_45 = tpu.memref_slice %arg3[%mul3A_2] : memref<4096xi32, #tpu.memory_space<hbm>> -> memref<128xi32, #tpu.memory_space<hbm>>
      %dma_wait3A_46 = tpu.memref_slice %arg3[%mul3A_2] : memref<4096xi32, #tpu.memory_space<hbm>> -> memref<128xi32, #tpu.memory_space<hbm>>
      tpu.wait_dma2 semaphore(%run_scoped3A : memref<!tpu.dma_semaphore, #tpu.memory_space<semaphore_mem>>) src(%dma_wait3A_46 : memref<128xi32, #tpu.memory_space<hbm>>) dst(%arg8 : memref<128xi32, #tpu.memory_space<vmem>>)
      tpu.yield
    }) : () -> ()
    %dma_start3A = arith.constant 0 : i32
    %dma_start3A_5 = arith.constant 0 : i32
    %dma_start3A_6 = tpu.memref_slice %arg5[%dma_start3A, %dma_start3A_5] : memref<10x128xf32, #tpu.memory_space<hbm>> -> memref<10x128xf32, #tpu.memory_space<hbm>>
    tpu.enqueue_indirect_dma source(%dma_start3A_6 : memref<10x128xf32, #tpu.memory_space<hbm>>) target(%arg9 : memref<128x128xf32, #tpu.memory_space<vmem>>) offsets(%arg8 : memref<128xi32, #tpu.memory_space<vmem>>) semaphore(%arg16 : memref<!tpu.dma_semaphore, #tpu.memory_space<semaphore_mem>>)
    %dma_wait3A = arith.constant 0 : i32
    %dma_wait3A_7 = arith.constant 0 : i32
    %dma_wait3A_8 = tpu.memref_slice %arg5[%dma_wait3A, %dma_wait3A_7] : memref<10x128xf32, #tpu.memory_space<hbm>> -> memref<10x128xf32, #tpu.memory_space<hbm>>
    tpu.wait_indirect_dma semaphore(%arg16 : memref<!tpu.dma_semaphore, #tpu.memory_space<semaphore_mem>>) src(%dma_wait3A_8 : memref<10x128xf32, #tpu.memory_space<hbm>>) dst(%arg9 : memref<128x128xf32, #tpu.memory_space<vmem>>)
    %dma_start3A_9 = arith.constant 0 : i32
    %dma_start3A_10 = arith.constant 0 : i32
    %dma_start3A_11 = tpu.memref_slice %arg10[%dma_start3A_9, %dma_start3A_10] : memref<200x128xf32, #tpu.memory_space<vmem>> -> memref<128x128xf32, #tpu.memory_space<vmem>>
    %dma_start3A_12 = arith.constant 0 : i32
    %dma_start3A_13 = tpu.memref_slice %arg7[%dma_start3A_12] : memref<25600xi32, #tpu.memory_space<vmem>> -> memref<128xi32, #tpu.memory_space<vmem>>
    %dma_start3A_14 = arith.constant 0 : i32
    %dma_start3A_15 = arith.constant 0 : i32
    %dma_start3A_16 = tpu.memref_slice %arg4[%dma_start3A_14, %dma_start3A_15] : memref<100000x128xf32, #tpu.memory_space<hbm>> -> memref<100000x128xf32, #tpu.memory_space<hbm>>
    tpu.enqueue_indirect_dma source(%dma_start3A_16 : memref<100000x128xf32, #tpu.memory_space<hbm>>) target(%dma_start3A_11 : memref<128x128xf32, #tpu.memory_space<vmem>>) offsets(%dma_start3A_13 : memref<128xi32, #tpu.memory_space<vmem>>) semaphore(%arg12 : memref<!tpu.dma_semaphore, #tpu.memory_space<semaphore_mem>>)
    %dma_start3A_17 = arith.constant 128 : i32
    %dma_start3A_18 = arith.constant 0 : i32
    %dma_start3A_19 = tpu.memref_slice %arg10[%dma_start3A_17, %dma_start3A_18] : memref<200x128xf32, #tpu.memory_space<vmem>> -> memref<72x128xf32, #tpu.memory_space<vmem>>
    %dma_start3A_20 = arith.constant 128 : i32
    %dma_start3A_21 = tpu.memref_slice %arg7[%dma_start3A_20] : memref<25600xi32, #tpu.memory_space<vmem>> -> memref<72xi32, #tpu.memory_space<vmem>>
    %dma_start3A_22 = arith.constant 0 : i32
    %dma_start3A_23 = arith.constant 0 : i32
    %dma_start3A_24 = tpu.memref_slice %arg4[%dma_start3A_22, %dma_start3A_23] : memref<100000x128xf32, #tpu.memory_space<hbm>> -> memref<100000x128xf32, #tpu.memory_space<hbm>>
    tpu.enqueue_indirect_dma source(%dma_start3A_24 : memref<100000x128xf32, #tpu.memory_space<hbm>>) target(%dma_start3A_19 : memref<72x128xf32, #tpu.memory_space<vmem>>) offsets(%dma_start3A_21 : memref<72xi32, #tpu.memory_space<vmem>>) semaphore(%arg12 : memref<!tpu.dma_semaphore, #tpu.memory_space<semaphore_mem>>)
    %scan3A = arith.constant 0 : i32
    %scan3A_25 = arith.constant 0 : i32
    %scan3A_26 = arith.constant 64 : i32
    %scan3A_27 = arith.addi %scan3A_25, %scan3A_26 : i32
    %scan3A_28 = arith.constant 1 : i32
    %scan3A_29 = scf.for %scan3A_43 = %scan3A_25 to %scan3A_27 step %scan3A_28 iter_args(%scan3A_44 = %scan3A) -> (i32)  : i32 {
      %mul3A_45 = arith.constant 2 : i32
      %mul3A_46 = arith.muli %mul3A_45, %scan3A_43 : i32
      %gt3A = arith.constant 0 : i32
      %gt3A_47 = arith.cmpi sgt, %scan3A_43, %gt3A : i32
      %convert_element_type3A = arith.extui %gt3A_47 : i1 to i32
      %cond3A = arith.constant 0 : i32
      %cond3A_48 = arith.cmpi ne, %convert_element_type3A, %cond3A : i32
      scf.if %cond3A_48 {
        %dma_wait3A_217 = arith.constant 0 : i32
        %dma_wait3A_218 = arith.constant 0 : i32
        %dma_wait3A_219 = tpu.memref_slice %arg6[%dma_wait3A_217, %dma_wait3A_218] : memref<819200x128xf32, #tpu.memory_space<hbm>> -> memref<200x128xf32, #tpu.memory_space<hbm>>
        %dma_wait3A_220 = arith.constant 0 : i32
        %dma_wait3A_221 = arith.constant 0 : i32
        %dma_wait3A_222 = tpu.memref_slice %arg6[%dma_wait3A_220, %dma_wait3A_221] : memref<819200x128xf32, #tpu.memory_space<hbm>> -> memref<200x128xf32, #tpu.memory_space<hbm>>
        tpu.wait_dma2 semaphore(%arg15 : memref<!tpu.dma_semaphore, #tpu.memory_space<semaphore_mem>>) src(%arg11 : memref<200x128xf32, #tpu.memory_space<vmem>>) dst(%dma_wait3A_222 : memref<200x128xf32, #tpu.memory_space<hbm>>)
      } else {
      }
      %add3A_49 = arith.constant 1 : i32
      %add3A_50 = arith.addi %mul3A_46, %add3A_49 : i32
      %mul3A_51 = arith.constant 200 : i32
      %mul3A_52 = arith.muli %add3A_50, %mul3A_51 : i32
      %dma_start3A_53 = arith.constant 0 : i32
      %dma_start3A_54 = arith.constant 0 : i32
      %dma_start3A_55 = tpu.memref_slice %arg11[%dma_start3A_53, %dma_start3A_54] : memref<200x128xf32, #tpu.memory_space<vmem>> -> memref<128x128xf32, #tpu.memory_space<vmem>>
      %dma_start3A_56 = tpu.memref_slice %arg7[%mul3A_52] : memref<25600xi32, #tpu.memory_space<vmem>> -> memref<128xi32, #tpu.memory_space<vmem>>
      %dma_start3A_57 = arith.constant 0 : i32
      %dma_start3A_58 = arith.constant 0 : i32
      %dma_start3A_59 = tpu.memref_slice %arg4[%dma_start3A_57, %dma_start3A_58] : memref<100000x128xf32, #tpu.memory_space<hbm>> -> memref<100000x128xf32, #tpu.memory_space<hbm>>
      tpu.enqueue_indirect_dma source(%dma_start3A_59 : memref<100000x128xf32, #tpu.memory_space<hbm>>) target(%dma_start3A_55 : memref<128x128xf32, #tpu.memory_space<vmem>>) offsets(%dma_start3A_56 : memref<128xi32, #tpu.memory_space<vmem>>) semaphore(%arg13 : memref<!tpu.dma_semaphore, #tpu.memory_space<semaphore_mem>>)
      %add3A_60 = arith.constant 128 : i32
      %add3A_61 = arith.addi %mul3A_52, %add3A_60 : i32
      %dma_start3A_62 = arith.constant 128 : i32
      %dma_start3A_63 = arith.constant 0 : i32
      %dma_start3A_64 = tpu.memref_slice %arg11[%dma_start3A_62, %dma_start3A_63] : memref<200x128xf32, #tpu.memory_space<vmem>> -> memref<72x128xf32, #tpu.memory_space<vmem>>
      %dma_start3A_65 = tpu.memref_slice %arg7[%add3A_61] : memref<25600xi32, #tpu.memory_space<vmem>> -> memref<72xi32, #tpu.memory_space<vmem>>
      %dma_start3A_66 = arith.constant 0 : i32
      %dma_start3A_67 = arith.constant 0 : i32
      %dma_start3A_68 = tpu.memref_slice %arg4[%dma_start3A_66, %dma_start3A_67] : memref<100000x128xf32, #tpu.memory_space<hbm>> -> memref<100000x128xf32, #tpu.memory_space<hbm>>
      tpu.enqueue_indirect_dma source(%dma_start3A_68 : memref<100000x128xf32, #tpu.memory_space<hbm>>) target(%dma_start3A_64 : memref<72x128xf32, #tpu.memory_space<vmem>>) offsets(%dma_start3A_65 : memref<72xi32, #tpu.memory_space<vmem>>) semaphore(%arg13 : memref<!tpu.dma_semaphore, #tpu.memory_space<semaphore_mem>>)
      %dma_wait3A_69 = arith.constant 0 : i32
      %dma_wait3A_70 = arith.constant 0 : i32
      %dma_wait3A_71 = tpu.memref_slice %arg10[%dma_wait3A_69, %dma_wait3A_70] : memref<200x128xf32, #tpu.memory_space<vmem>> -> memref<128x128xf32, #tpu.memory_space<vmem>>
      %dma_wait3A_72 = arith.constant 0 : i32
      %dma_wait3A_73 = arith.constant 0 : i32
      %dma_wait3A_74 = tpu.memref_slice %arg4[%dma_wait3A_72, %dma_wait3A_73] : memref<100000x128xf32, #tpu.memory_space<hbm>> -> memref<128x128xf32, #tpu.memory_space<hbm>>
      %dma_wait3A_75 = arith.constant 0 : i32
      %dma_wait3A_76 = arith.constant 0 : i32
      %dma_wait3A_77 = tpu.memref_slice %arg10[%dma_wait3A_75, %dma_wait3A_76] : memref<200x128xf32, #tpu.memory_space<vmem>> -> memref<128x128xf32, #tpu.memory_space<vmem>>
      %dma_wait3A_78 = arith.constant 0 : i32
      %dma_wait3A_79 = arith.constant 0 : i32
      %dma_wait3A_80 = tpu.memref_slice %arg4[%dma_wait3A_78, %dma_wait3A_79] : memref<100000x128xf32, #tpu.memory_space<hbm>> -> memref<128x128xf32, #tpu.memory_space<hbm>>
      tpu.wait_dma2 semaphore(%arg12 : memref<!tpu.dma_semaphore, #tpu.memory_space<semaphore_mem>>) src(%dma_wait3A_80 : memref<128x128xf32, #tpu.memory_space<hbm>>) dst(%dma_wait3A_77 : memref<128x128xf32, #tpu.memory_space<vmem>>)
      %dma_wait3A_81 = arith.constant 128 : i32
      %dma_wait3A_82 = arith.constant 0 : i32
      %dma_wait3A_83 = tpu.memref_slice %arg10[%dma_wait3A_81, %dma_wait3A_82] : memref<200x128xf32, #tpu.memory_space<vmem>> -> memref<72x128xf32, #tpu.memory_space<vmem>>
      %dma_wait3A_84 = arith.constant 0 : i32
      %dma_wait3A_85 = arith.constant 0 : i32
      %dma_wait3A_86 = tpu.memref_slice %arg4[%dma_wait3A_84, %dma_wait3A_85] : memref<100000x128xf32, #tpu.memory_space<hbm>> -> memref<72x128xf32, #tpu.memory_space<hbm>>
      %dma_wait3A_87 = arith.constant 128 : i32
      %dma_wait3A_88 = arith.constant 0 : i32
      %dma_wait3A_89 = tpu.memref_slice %arg10[%dma_wait3A_87, %dma_wait3A_88] : memref<200x128xf32, #tpu.memory_space<vmem>> -> memref<72x128xf32, #tpu.memory_space<vmem>>
      %dma_wait3A_90 = arith.constant 0 : i32
      %dma_wait3A_91 = arith.constant 0 : i32
      %dma_wait3A_92 = tpu.memref_slice %arg4[%dma_wait3A_90, %dma_wait3A_91] : memref<100000x128xf32, #tpu.memory_space<hbm>> -> memref<72x128xf32, #tpu.memory_space<hbm>>
      tpu.wait_dma2 semaphore(%arg12 : memref<!tpu.dma_semaphore, #tpu.memory_space<semaphore_mem>>) src(%dma_wait3A_92 : memref<72x128xf32, #tpu.memory_space<hbm>>) dst(%dma_wait3A_89 : memref<72x128xf32, #tpu.memory_space<vmem>>)
      %get3A = arith.index_cast %mul3A_46 : i32 to index
      %get3A_93 = arith.constant 0 : index
      %get3A_94 = tpu.vector_load %arg9[%get3A, %get3A_93] {strides = array<i32>} : memref<128x128xf32, #tpu.memory_space<vmem>>, vector<1x16xf32>,
      %get3A_95 = vector.shape_cast %get3A_94 : vector<1x16xf32> to vector<16xf32>
      %get3A_96 = arith.index_cast %mul3A_46 : i32 to index
      %get3A_97 = arith.constant 16 : index
      %get3A_98 = tpu.vector_load %arg9[%get3A_96, %get3A_97] {strides = array<i32>} : memref<128x128xf32, #tpu.memory_space<vmem>>, vector<1x16xf32>,
      %get3A_99 = vector.shape_cast %get3A_98 : vector<1x16xf32> to vector<16xf32>
      %get3A_100 = arith.index_cast %mul3A_46 : i32 to index
      %get3A_101 = arith.constant 32 : index
      %get3A_102 = tpu.vector_load %arg9[%get3A_100, %get3A_101] {strides = array<i32>} : memref<128x128xf32, #tpu.memory_space<vmem>>, vector<1x16xf32>,
      %get3A_103 = vector.shape_cast %get3A_102 : vector<1x16xf32> to vector<16xf32>
      %get3A_104 = arith.index_cast %mul3A_46 : i32 to index
      %get3A_105 = arith.constant 48 : index
      %get3A_106 = tpu.vector_load %arg9[%get3A_104, %get3A_105] {strides = array<i32>} : memref<128x128xf32, #tpu.memory_space<vmem>>, vector<1x16xf32>,
      %get3A_107 = vector.shape_cast %get3A_106 : vector<1x16xf32> to vector<16xf32>
      %get3A_108 = arith.index_cast %mul3A_46 : i32 to index
      %get3A_109 = arith.constant 64 : index
      %get3A_110 = tpu.vector_load %arg9[%get3A_108, %get3A_109] {strides = array<i32>} : memref<128x128xf32, #tpu.memory_space<vmem>>, vector<1x16xf32>,
      %get3A_111 = vector.shape_cast %get3A_110 : vector<1x16xf32> to vector<16xf32>
      %get3A_112 = arith.index_cast %mul3A_46 : i32 to index
      %get3A_113 = arith.constant 80 : index
      %get3A_114 = tpu.vector_load %arg9[%get3A_112, %get3A_113] {strides = array<i32>} : memref<128x128xf32, #tpu.memory_space<vmem>>, vector<1x16xf32>,
      %get3A_115 = vector.shape_cast %get3A_114 : vector<1x16xf32> to vector<16xf32>
      %get3A_116 = arith.index_cast %mul3A_46 : i32 to index
      %get3A_117 = arith.constant 96 : index
      %get3A_118 = tpu.vector_load %arg9[%get3A_116, %get3A_117] {strides = array<i32>} : memref<128x128xf32, #tpu.memory_space<vmem>>, vector<1x16xf32>,
      %get3A_119 = vector.shape_cast %get3A_118 : vector<1x16xf32> to vector<16xf32>
      %get3A_120 = arith.index_cast %mul3A_46 : i32 to index
      %get3A_121 = arith.constant 112 : index
      %get3A_122 = tpu.vector_load %arg9[%get3A_120, %get3A_121] {strides = array<i32>} : memref<128x128xf32, #tpu.memory_space<vmem>>, vector<1x16xf32>,
      %get3A_123 = vector.shape_cast %get3A_122 : vector<1x16xf32> to vector<16xf32>
      %scan3A_124 = arith.constant 0 : i32
      %scan3A_125 = arith.constant 0 : i32
      %scan3A_126 = arith.constant 200 : i32
      %scan3A_127 = arith.addi %scan3A_125, %scan3A_126 : i32
      %scan3A_128 = arith.constant 1 : i32
      %scan3A_129 = scf.for %scan3A_217 = %scan3A_125 to %scan3A_127 step %scan3A_128 iter_args(%scan3A_218 = %scan3A_124) -> (i32)  : i32 {
        %get3A_219 = arith.index_cast %scan3A_217 : i32 to index
        %get3A_220 = arith.constant 0 : index
        %get3A_221 = tpu.vector_load %arg10[%get3A_219, %get3A_220] {strides = array<i32>} : memref<200x128xf32, #tpu.memory_space<vmem>>, vector<1x16xf32>,
        %get3A_222 = vector.shape_cast %get3A_221 : vector<1x16xf32> to vector<16xf32>
        %add3A_223 = arith.addf %get3A_222, %get3A_95 : vector<16xf32>
        %swap3A = arith.index_cast %scan3A_217 : i32 to index
        %swap3A_224 = arith.constant 0 : index
        %swap3A_225 = tpu.vector_load %arg10[%swap3A, %swap3A_224] {strides = array<i32>} : memref<200x128xf32, #tpu.memory_space<vmem>>, vector<1x16xf32>,
        %swap3A_226 = vector.shape_cast %swap3A_225 : vector<1x16xf32> to vector<16xf32>
        %swap3A_227 = vector.shape_cast %add3A_223 : vector<16xf32> to vector<1x16xf32>
        tpu.vector_store %arg10[%swap3A, %swap3A_224], %swap3A_227 {strides = array<i32>} : memref<200x128xf32, #tpu.memory_space<vmem>>, vector<1x16xf32>,
        %get3A_228 = arith.index_cast %scan3A_217 : i32 to index
        %get3A_229 = arith.constant 16 : index
        %get3A_230 = tpu.vector_load %arg10[%get3A_228, %get3A_229] {strides = array<i32>} : memref<200x128xf32, #tpu.memory_space<vmem>>, vector<1x16xf32>,
        %get3A_231 = vector.shape_cast %get3A_230 : vector<1x16xf32> to vector<16xf32>
        %add3A_232 = arith.addf %get3A_231, %get3A_99 : vector<16xf32>
        %swap3A_233 = arith.index_cast %scan3A_217 : i32 to index
        %swap3A_234 = arith.constant 16 : index
        %swap3A_235 = tpu.vector_load %arg10[%swap3A_233, %swap3A_234] {strides = array<i32>} : memref<200x128xf32, #tpu.memory_space<vmem>>, vector<1x16xf32>,
        %swap3A_236 = vector.shape_cast %swap3A_235 : vector<1x16xf32> to vector<16xf32>
        %swap3A_237 = vector.shape_cast %add3A_232 : vector<16xf32> to vector<1x16xf32>
        tpu.vector_store %arg10[%swap3A_233, %swap3A_234], %swap3A_237 {strides = array<i32>} : memref<200x128xf32, #tpu.memory_space<vmem>>, vector<1x16xf32>,
        %get3A_238 = arith.index_cast %scan3A_217 : i32 to index
        %get3A_239 = arith.constant 32 : index
        %get3A_240 = tpu.vector_load %arg10[%get3A_238, %get3A_239] {strides = array<i32>} : memref<200x128xf32, #tpu.memory_space<vmem>>, vector<1x16xf32>,
        %get3A_241 = vector.shape_cast %get3A_240 : vector<1x16xf32> to vector<16xf32>
        %add3A_242 = arith.addf %get3A_241, %get3A_103 : vector<16xf32>
        %swap3A_243 = arith.index_cast %scan3A_217 : i32 to index
        %swap3A_244 = arith.constant 32 : index
        %swap3A_245 = tpu.vector_load %arg10[%swap3A_243, %swap3A_244] {strides = array<i32>} : memref<200x128xf32, #tpu.memory_space<vmem>>, vector<1x16xf32>,
        %swap3A_246 = vector.shape_cast %swap3A_245 : vector<1x16xf32> to vector<16xf32>
        %swap3A_247 = vector.shape_cast %add3A_242 : vector<16xf32> to vector<1x16xf32>
        tpu.vector_store %arg10[%swap3A_243, %swap3A_244], %swap3A_247 {strides = array<i32>} : memref<200x128xf32, #tpu.memory_space<vmem>>, vector<1x16xf32>,
        %get3A_248 = arith.index_cast %scan3A_217 : i32 to index
        %get3A_249 = arith.constant 48 : index
        %get3A_250 = tpu.vector_load %arg10[%get3A_248, %get3A_249] {strides = array<i32>} : memref<200x128xf32, #tpu.memory_space<vmem>>, vector<1x16xf32>,
        %get3A_251 = vector.shape_cast %get3A_250 : vector<1x16xf32> to vector<16xf32>
        %add3A_252 = arith.addf %get3A_251, %get3A_107 : vector<16xf32>
        %swap3A_253 = arith.index_cast %scan3A_217 : i32 to index
        %swap3A_254 = arith.constant 48 : index
        %swap3A_255 = tpu.vector_load %arg10[%swap3A_253, %swap3A_254] {strides = array<i32>} : memref<200x128xf32, #tpu.memory_space<vmem>>, vector<1x16xf32>,
        %swap3A_256 = vector.shape_cast %swap3A_255 : vector<1x16xf32> to vector<16xf32>
        %swap3A_257 = vector.shape_cast %add3A_252 : vector<16xf32> to vector<1x16xf32>
        tpu.vector_store %arg10[%swap3A_253, %swap3A_254], %swap3A_257 {strides = array<i32>} : memref<200x128xf32, #tpu.memory_space<vmem>>, vector<1x16xf32>,
        %get3A_258 = arith.index_cast %scan3A_217 : i32 to index
        %get3A_259 = arith.constant 64 : index
        %get3A_260 = tpu.vector_load %arg10[%get3A_258, %get3A_259] {strides = array<i32>} : memref<200x128xf32, #tpu.memory_space<vmem>>, vector<1x16xf32>,
        %get3A_261 = vector.shape_cast %get3A_260 : vector<1x16xf32> to vector<16xf32>
        %add3A_262 = arith.addf %get3A_261, %get3A_111 : vector<16xf32>
        %swap3A_263 = arith.index_cast %scan3A_217 : i32 to index
        %swap3A_264 = arith.constant 64 : index
        %swap3A_265 = tpu.vector_load %arg10[%swap3A_263, %swap3A_264] {strides = array<i32>} : memref<200x128xf32, #tpu.memory_space<vmem>>, vector<1x16xf32>,
        %swap3A_266 = vector.shape_cast %swap3A_265 : vector<1x16xf32> to vector<16xf32>
        %swap3A_267 = vector.shape_cast %add3A_262 : vector<16xf32> to vector<1x16xf32>
        tpu.vector_store %arg10[%swap3A_263, %swap3A_264], %swap3A_267 {strides = array<i32>} : memref<200x128xf32, #tpu.memory_space<vmem>>, vector<1x16xf32>,
        %get3A_268 = arith.index_cast %scan3A_217 : i32 to index
        %get3A_269 = arith.constant 80 : index
        %get3A_270 = tpu.vector_load %arg10[%get3A_268, %get3A_269] {strides = array<i32>} : memref<200x128xf32, #tpu.memory_space<vmem>>, vector<1x16xf32>,
        %get3A_271 = vector.shape_cast %get3A_270 : vector<1x16xf32> to vector<16xf32>
        %add3A_272 = arith.addf %get3A_271, %get3A_115 : vector<16xf32>
        %swap3A_273 = arith.index_cast %scan3A_217 : i32 to index
        %swap3A_274 = arith.constant 80 : index
        %swap3A_275 = tpu.vector_load %arg10[%swap3A_273, %swap3A_274] {strides = array<i32>} : memref<200x128xf32, #tpu.memory_space<vmem>>, vector<1x16xf32>,
        %swap3A_276 = vector.shape_cast %swap3A_275 : vector<1x16xf32> to vector<16xf32>
        %swap3A_277 = vector.shape_cast %add3A_272 : vector<16xf32> to vector<1x16xf32>
        tpu.vector_store %arg10[%swap3A_273, %swap3A_274], %swap3A_277 {strides = array<i32>} : memref<200x128xf32, #tpu.memory_space<vmem>>, vector<1x16xf32>,
        %get3A_278 = arith.index_cast %scan3A_217 : i32 to index
        %get3A_279 = arith.constant 96 : index
        %get3A_280 = tpu.vector_load %arg10[%get3A_278, %get3A_279] {strides = array<i32>} : memref<200x128xf32, #tpu.memory_space<vmem>>, vector<1x16xf32>,
        %get3A_281 = vector.shape_cast %get3A_280 : vector<1x16xf32> to vector<16xf32>
        %add3A_282 = arith.addf %get3A_281, %get3A_119 : vector<16xf32>
        %swap3A_283 = arith.index_cast %scan3A_217 : i32 to index
        %swap3A_284 = arith.constant 96 : index
        %swap3A_285 = tpu.vector_load %arg10[%swap3A_283, %swap3A_284] {strides = array<i32>} : memref<200x128xf32, #tpu.memory_space<vmem>>, vector<1x16xf32>,
        %swap3A_286 = vector.shape_cast %swap3A_285 : vector<1x16xf32> to vector<16xf32>
        %swap3A_287 = vector.shape_cast %add3A_282 : vector<16xf32> to vector<1x16xf32>
        tpu.vector_store %arg10[%swap3A_283, %swap3A_284], %swap3A_287 {strides = array<i32>} : memref<200x128xf32, #tpu.memory_space<vmem>>, vector<1x16xf32>,
        %get3A_288 = arith.index_cast %scan3A_217 : i32 to index
        %get3A_289 = arith.constant 112 : index
        %get3A_290 = tpu.vector_load %arg10[%get3A_288, %get3A_289] {strides = array<i32>} : memref<200x128xf32, #tpu.memory_space<vmem>>, vector<1x16xf32>,
        %get3A_291 = vector.shape_cast %get3A_290 : vector<1x16xf32> to vector<16xf32>
        %add3A_292 = arith.addf %get3A_291, %get3A_123 : vector<16xf32>
        %swap3A_293 = arith.index_cast %scan3A_217 : i32 to index
        %swap3A_294 = arith.constant 112 : index
        %swap3A_295 = tpu.vector_load %arg10[%swap3A_293, %swap3A_294] {strides = array<i32>} : memref<200x128xf32, #tpu.memory_space<vmem>>, vector<1x16xf32>,
        %swap3A_296 = vector.shape_cast %swap3A_295 : vector<1x16xf32> to vector<16xf32>
        %swap3A_297 = vector.shape_cast %add3A_292 : vector<16xf32> to vector<1x16xf32>
        tpu.vector_store %arg10[%swap3A_293, %swap3A_294], %swap3A_297 {strides = array<i32>} : memref<200x128xf32, #tpu.memory_space<vmem>>, vector<1x16xf32>,
        %scan3A_298 = arith.constant 0 : i32
        scf.yield %scan3A_298 : i32
      }
      %scan3A_130 = arith.constant 200 : i32
      %add3A_131 = arith.addi %mul3A_2, %mul3A_46 : i32
      %mul3A_132 = arith.constant 200 : i32
      %mul3A_133 = arith.muli %add3A_131, %mul3A_132 : i32
      %dma_start3A_134 = arith.constant 0 : i32
      %dma_start3A_135 = tpu.memref_slice %arg6[%mul3A_133, %dma_start3A_134] : memref<819200x128xf32, #tpu.memory_space<hbm>> -> memref<200x128xf32, #tpu.memory_space<hbm>>
      %dma_start3A_136 = arith.constant 0 : i32
      %dma_start3A_137 = tpu.memref_slice %arg6[%mul3A_133, %dma_start3A_136] : memref<819200x128xf32, #tpu.memory_space<hbm>> -> memref<200x128xf32, #tpu.memory_space<hbm>>
      tpu.enqueue_dma source(%arg10 : memref<200x128xf32, #tpu.memory_space<vmem>>) target(%dma_start3A_137 : memref<200x128xf32, #tpu.memory_space<hbm>>) target_semaphore(%arg14 : memref<!tpu.dma_semaphore, #tpu.memory_space<semaphore_mem>>)
      %lt3A = arith.constant 63 : i32
      %lt3A_138 = arith.cmpi slt, %scan3A_43, %lt3A : i32
      %convert_element_type3A_139 = arith.extui %lt3A_138 : i1 to i32
      %cond3A_140 = arith.constant 0 : i32
      %cond3A_141 = arith.cmpi ne, %convert_element_type3A_139, %cond3A_140 : i32
      scf.if %cond3A_141 {
        %dma_wait3A_217 = arith.constant 0 : i32
        %dma_wait3A_218 = arith.constant 0 : i32
        %dma_wait3A_219 = tpu.memref_slice %arg6[%dma_wait3A_217, %dma_wait3A_218] : memref<819200x128xf32, #tpu.memory_space<hbm>> -> memref<200x128xf32, #tpu.memory_space<hbm>>
        %dma_wait3A_220 = arith.constant 0 : i32
        %dma_wait3A_221 = arith.constant 0 : i32
        %dma_wait3A_222 = tpu.memref_slice %arg6[%dma_wait3A_220, %dma_wait3A_221] : memref<819200x128xf32, #tpu.memory_space<hbm>> -> memref<200x128xf32, #tpu.memory_space<hbm>>
        tpu.wait_dma2 semaphore(%arg14 : memref<!tpu.dma_semaphore, #tpu.memory_space<semaphore_mem>>) src(%arg10 : memref<200x128xf32, #tpu.memory_space<vmem>>) dst(%dma_wait3A_222 : memref<200x128xf32, #tpu.memory_space<hbm>>)
        %add3A_223 = arith.constant 2 : i32
        %add3A_224 = arith.addi %mul3A_46, %add3A_223 : i32
        %mul3A_225 = arith.constant 200 : i32
        %mul3A_226 = arith.muli %add3A_224, %mul3A_225 : i32
        %dma_start3A_227 = arith.constant 0 : i32
        %dma_start3A_228 = arith.constant 0 : i32
        %dma_start3A_229 = tpu.memref_slice %arg10[%dma_start3A_227, %dma_start3A_228] : memref<200x128xf32, #tpu.memory_space<vmem>> -> memref<128x128xf32, #tpu.memory_space<vmem>>
        %dma_start3A_230 = tpu.memref_slice %arg7[%mul3A_226] : memref<25600xi32, #tpu.memory_space<vmem>> -> memref<128xi32, #tpu.memory_space<vmem>>
        %dma_start3A_231 = arith.constant 0 : i32
        %dma_start3A_232 = arith.constant 0 : i32
        %dma_start3A_233 = tpu.memref_slice %arg4[%dma_start3A_231, %dma_start3A_232] : memref<100000x128xf32, #tpu.memory_space<hbm>> -> memref<100000x128xf32, #tpu.memory_space<hbm>>
        tpu.enqueue_indirect_dma source(%dma_start3A_233 : memref<100000x128xf32, #tpu.memory_space<hbm>>) target(%dma_start3A_229 : memref<128x128xf32, #tpu.memory_space<vmem>>) offsets(%dma_start3A_230 : memref<128xi32, #tpu.memory_space<vmem>>) semaphore(%arg12 : memref<!tpu.dma_semaphore, #tpu.memory_space<semaphore_mem>>)
        %add3A_234 = arith.constant 128 : i32
        %add3A_235 = arith.addi %mul3A_226, %add3A_234 : i32
        %dma_start3A_236 = arith.constant 128 : i32
        %dma_start3A_237 = arith.constant 0 : i32
        %dma_start3A_238 = tpu.memref_slice %arg10[%dma_start3A_236, %dma_start3A_237] : memref<200x128xf32, #tpu.memory_space<vmem>> -> memref<72x128xf32, #tpu.memory_space<vmem>>
        %dma_start3A_239 = tpu.memref_slice %arg7[%add3A_235] : memref<25600xi32, #tpu.memory_space<vmem>> -> memref<72xi32, #tpu.memory_space<vmem>>
        %dma_start3A_240 = arith.constant 0 : i32
        %dma_start3A_241 = arith.constant 0 : i32
        %dma_start3A_242 = tpu.memref_slice %arg4[%dma_start3A_240, %dma_start3A_241] : memref<100000x128xf32, #tpu.memory_space<hbm>> -> memref<100000x128xf32, #tpu.memory_space<hbm>>
        tpu.enqueue_indirect_dma source(%dma_start3A_242 : memref<100000x128xf32, #tpu.memory_space<hbm>>) target(%dma_start3A_238 : memref<72x128xf32, #tpu.memory_space<vmem>>) offsets(%dma_start3A_239 : memref<72xi32, #tpu.memory_space<vmem>>) semaphore(%arg12 : memref<!tpu.dma_semaphore, #tpu.memory_space<semaphore_mem>>)
      } else {
      }
      %dma_wait3A_142 = arith.constant 0 : i32
      %dma_wait3A_143 = arith.constant 0 : i32
      %dma_wait3A_144 = tpu.memref_slice %arg11[%dma_wait3A_142, %dma_wait3A_143] : memref<200x128xf32, #tpu.memory_space<vmem>> -> memref<128x128xf32, #tpu.memory_space<vmem>>
      %dma_wait3A_145 = arith.constant 0 : i32
      %dma_wait3A_146 = arith.constant 0 : i32
      %dma_wait3A_147 = tpu.memref_slice %arg4[%dma_wait3A_145, %dma_wait3A_146] : memref<100000x128xf32, #tpu.memory_space<hbm>> -> memref<128x128xf32, #tpu.memory_space<hbm>>
      %dma_wait3A_148 = arith.constant 0 : i32
      %dma_wait3A_149 = arith.constant 0 : i32
      %dma_wait3A_150 = tpu.memref_slice %arg11[%dma_wait3A_148, %dma_wait3A_149] : memref<200x128xf32, #tpu.memory_space<vmem>> -> memref<128x128xf32, #tpu.memory_space<vmem>>
      %dma_wait3A_151 = arith.constant 0 : i32
      %dma_wait3A_152 = arith.constant 0 : i32
      %dma_wait3A_153 = tpu.memref_slice %arg4[%dma_wait3A_151, %dma_wait3A_152] : memref<100000x128xf32, #tpu.memory_space<hbm>> -> memref<128x128xf32, #tpu.memory_space<hbm>>
      tpu.wait_dma2 semaphore(%arg13 : memref<!tpu.dma_semaphore, #tpu.memory_space<semaphore_mem>>) src(%dma_wait3A_153 : memref<128x128xf32, #tpu.memory_space<hbm>>) dst(%dma_wait3A_150 : memref<128x128xf32, #tpu.memory_space<vmem>>)
      %dma_wait3A_154 = arith.constant 128 : i32
      %dma_wait3A_155 = arith.constant 0 : i32
      %dma_wait3A_156 = tpu.memref_slice %arg11[%dma_wait3A_154, %dma_wait3A_155] : memref<200x128xf32, #tpu.memory_space<vmem>> -> memref<72x128xf32, #tpu.memory_space<vmem>>
      %dma_wait3A_157 = arith.constant 0 : i32
      %dma_wait3A_158 = arith.constant 0 : i32
      %dma_wait3A_159 = tpu.memref_slice %arg4[%dma_wait3A_157, %dma_wait3A_158] : memref<100000x128xf32, #tpu.memory_space<hbm>> -> memref<72x128xf32, #tpu.memory_space<hbm>>
      %dma_wait3A_160 = arith.constant 128 : i32
      %dma_wait3A_161 = arith.constant 0 : i32
      %dma_wait3A_162 = tpu.memref_slice %arg11[%dma_wait3A_160, %dma_wait3A_161] : memref<200x128xf32, #tpu.memory_space<vmem>> -> memref<72x128xf32, #tpu.memory_space<vmem>>
      %dma_wait3A_163 = arith.constant 0 : i32
      %dma_wait3A_164 = arith.constant 0 : i32
      %dma_wait3A_165 = tpu.memref_slice %arg4[%dma_wait3A_163, %dma_wait3A_164] : memref<100000x128xf32, #tpu.memory_space<hbm>> -> memref<72x128xf32, #tpu.memory_space<hbm>>
      tpu.wait_dma2 semaphore(%arg13 : memref<!tpu.dma_semaphore, #tpu.memory_space<semaphore_mem>>) src(%dma_wait3A_165 : memref<72x128xf32, #tpu.memory_space<hbm>>) dst(%dma_wait3A_162 : memref<72x128xf32, #tpu.memory_space<vmem>>)
      %add3A_166 = arith.constant 1 : i32
      %add3A_167 = arith.addi %mul3A_46, %add3A_166 : i32
      %get3A_168 = arith.index_cast %add3A_167 : i32 to index
      %get3A_169 = arith.constant 0 : index
      %get3A_170 = tpu.vector_load %arg9[%get3A_168, %get3A_169] {strides = array<i32>} : memref<128x128xf32, #tpu.memory_space<vmem>>, vector<1x16xf32>,
      %get3A_171 = vector.shape_cast %get3A_170 : vector<1x16xf32> to vector<16xf32>
      %get3A_172 = arith.index_cast %add3A_167 : i32 to index
      %get3A_173 = arith.constant 16 : index
      %get3A_174 = tpu.vector_load %arg9[%get3A_172, %get3A_173] {strides = array<i32>} : memref<128x128xf32, #tpu.memory_space<vmem>>, vector<1x16xf32>,
      %get3A_175 = vector.shape_cast %get3A_174 : vector<1x16xf32> to vector<16xf32>
      %get3A_176 = arith.index_cast %add3A_167 : i32 to index
      %get3A_177 = arith.constant 32 : index
      %get3A_178 = tpu.vector_load %arg9[%get3A_176, %get3A_177] {strides = array<i32>} : memref<128x128xf32, #tpu.memory_space<vmem>>, vector<1x16xf32>,
      %get3A_179 = vector.shape_cast %get3A_178 : vector<1x16xf32> to vector<16xf32>
      %get3A_180 = arith.index_cast %add3A_167 : i32 to index
      %get3A_181 = arith.constant 48 : index
      %get3A_182 = tpu.vector_load %arg9[%get3A_180, %get3A_181] {strides = array<i32>} : memref<128x128xf32, #tpu.memory_space<vmem>>, vector<1x16xf32>,
      %get3A_183 = vector.shape_cast %get3A_182 : vector<1x16xf32> to vector<16xf32>
      %get3A_184 = arith.index_cast %add3A_167 : i32 to index
      %get3A_185 = arith.constant 64 : index
      %get3A_186 = tpu.vector_load %arg9[%get3A_184, %get3A_185] {strides = array<i32>} : memref<128x128xf32, #tpu.memory_space<vmem>>, vector<1x16xf32>,
      %get3A_187 = vector.shape_cast %get3A_186 : vector<1x16xf32> to vector<16xf32>
      %get3A_188 = arith.index_cast %add3A_167 : i32 to index
      %get3A_189 = arith.constant 80 : index
      %get3A_190 = tpu.vector_load %arg9[%get3A_188, %get3A_189] {strides = array<i32>} : memref<128x128xf32, #tpu.memory_space<vmem>>, vector<1x16xf32>,
      %get3A_191 = vector.shape_cast %get3A_190 : vector<1x16xf32> to vector<16xf32>
      %get3A_192 = arith.index_cast %add3A_167 : i32 to index
      %get3A_193 = arith.constant 96 : index
      %get3A_194 = tpu.vector_load %arg9[%get3A_192, %get3A_193] {strides = array<i32>} : memref<128x128xf32, #tpu.memory_space<vmem>>, vector<1x16xf32>,
      %get3A_195 = vector.shape_cast %get3A_194 : vector<1x16xf32> to vector<16xf32>
      %get3A_196 = arith.index_cast %add3A_167 : i32 to index
      %get3A_197 = arith.constant 112 : index
      %get3A_198 = tpu.vector_load %arg9[%get3A_196, %get3A_197] {strides = array<i32>} : memref<128x128xf32, #tpu.memory_space<vmem>>, vector<1x16xf32>,
      %get3A_199 = vector.shape_cast %get3A_198 : vector<1x16xf32> to vector<16xf32>
      %scan3A_200 = arith.constant 0 : i32
      %scan3A_201 = arith.constant 0 : i32
      %scan3A_202 = arith.constant 200 : i32
      %scan3A_203 = arith.addi %scan3A_201, %scan3A_202 : i32
      %scan3A_204 = arith.constant 1 : i32
      %scan3A_205 = scf.for %scan3A_217 = %scan3A_201 to %scan3A_203 step %scan3A_204 iter_args(%scan3A_218 = %scan3A_200) -> (i32)  : i32 {
        %get3A_219 = arith.index_cast %scan3A_217 : i32 to index
        %get3A_220 = arith.constant 0 : index
        %get3A_221 = tpu.vector_load %arg11[%get3A_219, %get3A_220] {strides = array<i32>} : memref<200x128xf32, #tpu.memory_space<vmem>>, vector<1x16xf32>,
        %get3A_222 = vector.shape_cast %get3A_221 : vector<1x16xf32> to vector<16xf32>
        %add3A_223 = arith.addf %get3A_222, %get3A_171 : vector<16xf32>
        %swap3A = arith.index_cast %scan3A_217 : i32 to index
        %swap3A_224 = arith.constant 0 : index
        %swap3A_225 = tpu.vector_load %arg11[%swap3A, %swap3A_224] {strides = array<i32>} : memref<200x128xf32, #tpu.memory_space<vmem>>, vector<1x16xf32>,
        %swap3A_226 = vector.shape_cast %swap3A_225 : vector<1x16xf32> to vector<16xf32>
        %swap3A_227 = vector.shape_cast %add3A_223 : vector<16xf32> to vector<1x16xf32>
        tpu.vector_store %arg11[%swap3A, %swap3A_224], %swap3A_227 {strides = array<i32>} : memref<200x128xf32, #tpu.memory_space<vmem>>, vector<1x16xf32>,
        %get3A_228 = arith.index_cast %scan3A_217 : i32 to index
        %get3A_229 = arith.constant 16 : index
        %get3A_230 = tpu.vector_load %arg11[%get3A_228, %get3A_229] {strides = array<i32>} : memref<200x128xf32, #tpu.memory_space<vmem>>, vector<1x16xf32>,
        %get3A_231 = vector.shape_cast %get3A_230 : vector<1x16xf32> to vector<16xf32>
        %add3A_232 = arith.addf %get3A_231, %get3A_175 : vector<16xf32>
        %swap3A_233 = arith.index_cast %scan3A_217 : i32 to index
        %swap3A_234 = arith.constant 16 : index
        %swap3A_235 = tpu.vector_load %arg11[%swap3A_233, %swap3A_234] {strides = array<i32>} : memref<200x128xf32, #tpu.memory_space<vmem>>, vector<1x16xf32>,
        %swap3A_236 = vector.shape_cast %swap3A_235 : vector<1x16xf32> to vector<16xf32>
        %swap3A_237 = vector.shape_cast %add3A_232 : vector<16xf32> to vector<1x16xf32>
        tpu.vector_store %arg11[%swap3A_233, %swap3A_234], %swap3A_237 {strides = array<i32>} : memref<200x128xf32, #tpu.memory_space<vmem>>, vector<1x16xf32>,
        %get3A_238 = arith.index_cast %scan3A_217 : i32 to index
        %get3A_239 = arith.constant 32 : index
        %get3A_240 = tpu.vector_load %arg11[%get3A_238, %get3A_239] {strides = array<i32>} : memref<200x128xf32, #tpu.memory_space<vmem>>, vector<1x16xf32>,
        %get3A_241 = vector.shape_cast %get3A_240 : vector<1x16xf32> to vector<16xf32>
        %add3A_242 = arith.addf %get3A_241, %get3A_179 : vector<16xf32>
        %swap3A_243 = arith.index_cast %scan3A_217 : i32 to index
        %swap3A_244 = arith.constant 32 : index
        %swap3A_245 = tpu.vector_load %arg11[%swap3A_243, %swap3A_244] {strides = array<i32>} : memref<200x128xf32, #tpu.memory_space<vmem>>, vector<1x16xf32>,
        %swap3A_246 = vector.shape_cast %swap3A_245 : vector<1x16xf32> to vector<16xf32>
        %swap3A_247 = vector.shape_cast %add3A_242 : vector<16xf32> to vector<1x16xf32>
        tpu.vector_store %arg11[%swap3A_243, %swap3A_244], %swap3A_247 {strides = array<i32>} : memref<200x128xf32, #tpu.memory_space<vmem>>, vector<1x16xf32>,
        %get3A_248 = arith.index_cast %scan3A_217 : i32 to index
        %get3A_249 = arith.constant 48 : index
        %get3A_250 = tpu.vector_load %arg11[%get3A_248, %get3A_249] {strides = array<i32>} : memref<200x128xf32, #tpu.memory_space<vmem>>, vector<1x16xf32>,
        %get3A_251 = vector.shape_cast %get3A_250 : vector<1x16xf32> to vector<16xf32>
        %add3A_252 = arith.addf %get3A_251, %get3A_183 : vector<16xf32>
        %swap3A_253 = arith.index_cast %scan3A_217 : i32 to index
        %swap3A_254 = arith.constant 48 : index
        %swap3A_255 = tpu.vector_load %arg11[%swap3A_253, %swap3A_254] {strides = array<i32>} : memref<200x128xf32, #tpu.memory_space<vmem>>, vector<1x16xf32>,
        %swap3A_256 = vector.shape_cast %swap3A_255 : vector<1x16xf32> to vector<16xf32>
        %swap3A_257 = vector.shape_cast %add3A_252 : vector<16xf32> to vector<1x16xf32>
        tpu.vector_store %arg11[%swap3A_253, %swap3A_254], %swap3A_257 {strides = array<i32>} : memref<200x128xf32, #tpu.memory_space<vmem>>, vector<1x16xf32>,
        %get3A_258 = arith.index_cast %scan3A_217 : i32 to index
        %get3A_259 = arith.constant 64 : index
        %get3A_260 = tpu.vector_load %arg11[%get3A_258, %get3A_259] {strides = array<i32>} : memref<200x128xf32, #tpu.memory_space<vmem>>, vector<1x16xf32>,
        %get3A_261 = vector.shape_cast %get3A_260 : vector<1x16xf32> to vector<16xf32>
        %add3A_262 = arith.addf %get3A_261, %get3A_187 : vector<16xf32>
        %swap3A_263 = arith.index_cast %scan3A_217 : i32 to index
        %swap3A_264 = arith.constant 64 : index
        %swap3A_265 = tpu.vector_load %arg11[%swap3A_263, %swap3A_264] {strides = array<i32>} : memref<200x128xf32, #tpu.memory_space<vmem>>, vector<1x16xf32>,
        %swap3A_266 = vector.shape_cast %swap3A_265 : vector<1x16xf32> to vector<16xf32>
        %swap3A_267 = vector.shape_cast %add3A_262 : vector<16xf32> to vector<1x16xf32>
        tpu.vector_store %arg11[%swap3A_263, %swap3A_264], %swap3A_267 {strides = array<i32>} : memref<200x128xf32, #tpu.memory_space<vmem>>, vector<1x16xf32>,
        %get3A_268 = arith.index_cast %scan3A_217 : i32 to index
        %get3A_269 = arith.constant 80 : index
        %get3A_270 = tpu.vector_load %arg11[%get3A_268, %get3A_269] {strides = array<i32>} : memref<200x128xf32, #tpu.memory_space<vmem>>, vector<1x16xf32>,
        %get3A_271 = vector.shape_cast %get3A_270 : vector<1x16xf32> to vector<16xf32>
        %add3A_272 = arith.addf %get3A_271, %get3A_191 : vector<16xf32>
        %swap3A_273 = arith.index_cast %scan3A_217 : i32 to index
        %swap3A_274 = arith.constant 80 : index
        %swap3A_275 = tpu.vector_load %arg11[%swap3A_273, %swap3A_274] {strides = array<i32>} : memref<200x128xf32, #tpu.memory_space<vmem>>, vector<1x16xf32>,
        %swap3A_276 = vector.shape_cast %swap3A_275 : vector<1x16xf32> to vector<16xf32>
        %swap3A_277 = vector.shape_cast %add3A_272 : vector<16xf32> to vector<1x16xf32>
        tpu.vector_store %arg11[%swap3A_273, %swap3A_274], %swap3A_277 {strides = array<i32>} : memref<200x128xf32, #tpu.memory_space<vmem>>, vector<1x16xf32>,
        %get3A_278 = arith.index_cast %scan3A_217 : i32 to index
        %get3A_279 = arith.constant 96 : index
        %get3A_280 = tpu.vector_load %arg11[%get3A_278, %get3A_279] {strides = array<i32>} : memref<200x128xf32, #tpu.memory_space<vmem>>, vector<1x16xf32>,
        %get3A_281 = vector.shape_cast %get3A_280 : vector<1x16xf32> to vector<16xf32>
        %add3A_282 = arith.addf %get3A_281, %get3A_195 : vector<16xf32>
        %swap3A_283 = arith.index_cast %scan3A_217 : i32 to index
        %swap3A_284 = arith.constant 96 : index
        %swap3A_285 = tpu.vector_load %arg11[%swap3A_283, %swap3A_284] {strides = array<i32>} : memref<200x128xf32, #tpu.memory_space<vmem>>, vector<1x16xf32>,
        %swap3A_286 = vector.shape_cast %swap3A_285 : vector<1x16xf32> to vector<16xf32>
        %swap3A_287 = vector.shape_cast %add3A_282 : vector<16xf32> to vector<1x16xf32>
        tpu.vector_store %arg11[%swap3A_283, %swap3A_284], %swap3A_287 {strides = array<i32>} : memref<200x128xf32, #tpu.memory_space<vmem>>, vector<1x16xf32>,
        %get3A_288 = arith.index_cast %scan3A_217 : i32 to index
        %get3A_289 = arith.constant 112 : index
        %get3A_290 = tpu.vector_load %arg11[%get3A_288, %get3A_289] {strides = array<i32>} : memref<200x128xf32, #tpu.memory_space<vmem>>, vector<1x16xf32>,
        %get3A_291 = vector.shape_cast %get3A_290 : vector<1x16xf32> to vector<16xf32>
        %add3A_292 = arith.addf %get3A_291, %get3A_199 : vector<16xf32>
        %swap3A_293 = arith.index_cast %scan3A_217 : i32 to index
        %swap3A_294 = arith.constant 112 : index
        %swap3A_295 = tpu.vector_load %arg11[%swap3A_293, %swap3A_294] {strides = array<i32>} : memref<200x128xf32, #tpu.memory_space<vmem>>, vector<1x16xf32>,
        %swap3A_296 = vector.shape_cast %swap3A_295 : vector<1x16xf32> to vector<16xf32>
        %swap3A_297 = vector.shape_cast %add3A_292 : vector<16xf32> to vector<1x16xf32>
        tpu.vector_store %arg11[%swap3A_293, %swap3A_294], %swap3A_297 {strides = array<i32>} : memref<200x128xf32, #tpu.memory_space<vmem>>, vector<1x16xf32>,
        %scan3A_298 = arith.constant 0 : i32
        scf.yield %scan3A_298 : i32
      }
      %scan3A_206 = arith.constant 200 : i32
      %add3A_207 = arith.constant 1 : i32
      %add3A_208 = arith.addi %mul3A_46, %add3A_207 : i32
      %add3A_209 = arith.addi %mul3A_2, %add3A_208 : i32
      %mul3A_210 = arith.constant 200 : i32
      %mul3A_211 = arith.muli %add3A_209, %mul3A_210 : i32
      %dma_start3A_212 = arith.constant 0 : i32
      %dma_start3A_213 = tpu.memref_slice %arg6[%mul3A_211, %dma_start3A_212] : memref<819200x128xf32, #tpu.memory_space<hbm>> -> memref<200x128xf32, #tpu.memory_space<hbm>>
      %dma_start3A_214 = arith.constant 0 : i32
      %dma_start3A_215 = tpu.memref_slice %arg6[%mul3A_211, %dma_start3A_214] : memref<819200x128xf32, #tpu.memory_space<hbm>> -> memref<200x128xf32, #tpu.memory_space<hbm>>
      tpu.enqueue_dma source(%arg11 : memref<200x128xf32, #tpu.memory_space<vmem>>) target(%dma_start3A_215 : memref<200x128xf32, #tpu.memory_space<hbm>>) target_semaphore(%arg15 : memref<!tpu.dma_semaphore, #tpu.memory_space<semaphore_mem>>)
      %scan3A_216 = arith.constant 0 : i32
      scf.yield %scan3A_216 : i32
    }
    %scan3A_30 = arith.constant 64 : i32
    %dma_wait3A_31 = arith.constant 0 : i32
    %dma_wait3A_32 = arith.constant 0 : i32
    %dma_wait3A_33 = tpu.memref_slice %arg6[%dma_wait3A_31, %dma_wait3A_32] : memref<819200x128xf32, #tpu.memory_space<hbm>> -> memref<200x128xf32, #tpu.memory_space<hbm>>
    %dma_wait3A_34 = arith.constant 0 : i32
    %dma_wait3A_35 = arith.constant 0 : i32
    %dma_wait3A_36 = tpu.memref_slice %arg6[%dma_wait3A_34, %dma_wait3A_35] : memref<819200x128xf32, #tpu.memory_space<hbm>> -> memref<200x128xf32, #tpu.memory_space<hbm>>
    tpu.wait_dma2 semaphore(%arg14 : memref<!tpu.dma_semaphore, #tpu.memory_space<semaphore_mem>>) src(%arg10 : memref<200x128xf32, #tpu.memory_space<vmem>>) dst(%dma_wait3A_36 : memref<200x128xf32, #tpu.memory_space<hbm>>)
    %dma_wait3A_37 = arith.constant 0 : i32
    %dma_wait3A_38 = arith.constant 0 : i32
    %dma_wait3A_39 = tpu.memref_slice %arg6[%dma_wait3A_37, %dma_wait3A_38] : memref<819200x128xf32, #tpu.memory_space<hbm>> -> memref<200x128xf32, #tpu.memory_space<hbm>>
    %dma_wait3A_40 = arith.constant 0 : i32
    %dma_wait3A_41 = arith.constant 0 : i32
    %dma_wait3A_42 = tpu.memref_slice %arg6[%dma_wait3A_40, %dma_wait3A_41] : memref<819200x128xf32, #tpu.memory_space<hbm>> -> memref<200x128xf32, #tpu.memory_space<hbm>>
    tpu.wait_dma2 semaphore(%arg15 : memref<!tpu.dma_semaphore, #tpu.memory_space<semaphore_mem>>) src(%arg11 : memref<200x128xf32, #tpu.memory_space<vmem>>) dst(%dma_wait3A_42 : memref<200x128xf32, #tpu.memory_space<hbm>>)
    return
  }
}

</mosaic_0001>

<sc_bundles>
// kernel: _run.3.cloned.1.call-start
scs
__scs_entry_jumppad:
0x0: {  	(pc) =	sbr.rel $0x88, $3  }
0x1: {  	(tag) =	ssettag $0x0;
	lr =	simm.s32 $0x1  }
0x2: {  	[smem:$0x3F9D] =	sst lr;
	_ =	strace $0xD0000000  }
0x3: {  	_ = 	snop  }
0x4: {  	_ = 	snop  }
0x5: {  	_ = 	snop  }
0x6: {  	_ = 	snop  }
0x7: {  	_ = 	snop  }
__scs_overlays_trampoline_lowered:
0x8: {  	[smem:$0x3FAC] =	sst s0  }
0x9: {  	[smem:$0x3FAD] =	sst s1  }
0xa: {  	[smem:$0x3FAE] =	sst s2  }
0xb: {  	[smem:$0x3FAF] =	sst s3  }
0xc: {  	[smem:$0x3FB0] =	sst s4  }
0xd: {  	[smem:$0x3FB1] =	sst s5  }
0xe: {  	[smem:$0x3FB2] =	sst s6  }
0xf: {  	[smem:$0x3FB3] =	sst s7  }
0x10: {  	[smem:$0x3FB4] =	sst s8  }
0x11: {  	[smem:$0x3FB5] =	sst s9;
	s0 =	simm.s32 @!p0 $0x0  }
0x12: {  	s1 =	sld [smem:$0x3F9B];
	s0 =	simm.s32 @p0 $0x1  }
0x13: {  	[smem:$0x3FB6] =	sst s0;
	s0 =	simm.s32 @!p1 $0x0  }
0x14: {  	s2 =	sld [smem:$0x3F9A];
	s0 =	simm.s32 @p1 $0x1  }
0x15: {  	[smem:$0x3FB7] =	sst s0;
	s0 =	simm.s32 @!p2 $0x0  }
0x16: {  	s3 =	sld [smem:$0x3FDB];
	s0 =	simm.s32 @p2 $0x1  }
0x17: {  	s4 =	simm.s32 $0x1BF5;
	[smem:$0x3FB9] =	sst s0  }
0x18: {  	s0 =	sld [smem:$0x3F9C];
	_ =	swait.ge [sflag:s4], $0x0  }
0x19: {  	s7 =	sld [smem:$0x3F9D]  }
0x1a: {  	s8 =	sadd.s32 $0xFFFFE003, lr  }
0x1b: {  	s9 =	sadd.s32 $0xFFFFFEF7, lr;
	s5 =	simm.s32 $0xFFFFFFFF;
	p2 =	slt.u32 s8, $0xFFFFF086  }
0x1c: {  	p1 =	slt.u32 s9, $0xF7A;
	s5 =	simm.s32 @!p2 $0x0  }
0x1d: {  	s5 =	simm.s32 @p1 $0x1;
	p0 =	seq.s32 s7, s2  }
0x1e: {  	s7 =	smul.u32 @!p0 $0xF7A, s2;
	p2 =	seq.s32 @!p0 s5, $0x0  }
0x1f: {  	s9 =	smul.u32 $0xF7A, s1;
	s8 =	simm.s32 @!p0 $0x1BF5;
	p2 =	por !p2, p0  }
0x20: {  	[sflag:s8] =	ssyncset.s32 @!p0 $0xFFFFF086;
	s6 =	sadd.s32 @!p0 s3, s7;
	s7 =	simm.s32 @!p0 $0x108  }
0x21: {  	s3 =	sadd.s32 s3, s9;
	s6 =	sadd.s32 @!p0 $0x88, s6;
	s7 =	simm.s32 @p2 $0x1082  }
0x22: {  	[simem:s7], [sflag:s8] =	dma.local @!p0 [hbm:s6], $0xF7A  }
0x23: {  	s9 =	sor.u32 $0xD0000000, s2;
	s6 =	simm.s32 $0x108;
	_ =	swait.ge @!p0 [sflag:s8], $0x0  }
0x24: {  	s3 =	sadd.s32 $0x88, s3;
	s6 =	simm.s32 @!p1 $0x1082;
	[sflag:s4] =	ssyncset.s32 $0xFFFFF086  }
0x25: {  	[simem:s6], [sflag:s4] =	dma.local [hbm:s3], $0xF7A  }
0x26: {  	[smem:$0x3F9D] =	sst s1;
	(tag) =	ssettag s2;
	_ =	strace s9  }
0x27: {  	s1 =	sld [smem:$0x3FAD]  }
0x28: {  	s2 =	sld [smem:$0x3FAE]  }
0x29: {  	s4 =	sld [smem:$0x3FB0]  }
0x2a: {  	p0 =	seq.s32 s5, $0x0;
	s5 =	sld [smem:$0x3FB1]  }
0x2b: {  	s6 =	sld [smem:$0x3FB2]  }
0x2c: {  	s7 =	sld [smem:$0x3FB3]  }
0x2d: {  	s3 =	simm.s32 $0x108;
	s8 =	sld [smem:$0x3FB4]  }
0x2e: {  	s3 =	simm.s32 @!p0 $0x1082;
	s9 =	sld [smem:$0x3FB5]  }
0x2f: {  	lr =	sadd.s32 s0, s3;
	s0 =	sld [smem:$0x3FAC]  }
0x30: {  	s3 =	sld [smem:$0x3FAF]  }
0x31: {  	[smem:$0x3FB8] =	sst s10  }
0x32: {  	s10 =	sld [smem:$0x3FB6];
	_ =	sdelay $0x3  }
0x33: {  	p0 =	seq.s32 s10, $0x1;
	s10 =	sld [smem:$0x3FB8];
	_ =	sdelay $0x3  }
0x34: {  	[smem:$0x3FB8] =	sst s10  }
0x35: {  	s10 =	sld [smem:$0x3FB7];
	_ =	sdelay $0x3  }
0x36: {  	p1 =	seq.s32 s10, $0x1;
	s10 =	sld [smem:$0x3FB8];
	_ =	sdelay $0x3  }
0x37: {  	[smem:$0x3FB8] =	sst s10  }
0x38: {  	s10 =	sld [smem:$0x3FB9]  }
0x39: {  	_ = 	snop;
	(pc) =	sbr.ind lr, $3  }
0x3a: {  	_ = 	snop  }
0x3b: {  	_ = 	snop  }
0x3c: {  	p2 =	seq.s32 s10, $0x1;
	s10 =	sld [smem:$0x3FB8]  }
0x3d: {  	_ =	shalt  }
0x3e: {  	_ =	shalt  }
0x3f: {  	_ =	shalt  }
0x40: {  	_ =	shalt  }
0x41: {  	_ =	shalt  }
0x42: {  	_ =	shalt  }
0x43: {  	_ =	shalt  }
0x44: {  	_ =	shalt  }
0x45: {  	_ =	shalt  }
0x46: {  	_ =	shalt  }
0x47: {  	_ =	shalt  }
0x48: {  	_ =	shalt  }
0x49: {  	_ =	shalt  }
0x4a: {  	_ =	shalt  }
0x4b: {  	_ =	shalt  }
0x4c: {  	_ =	shalt  }
0x4d: {  	_ =	shalt  }
0x4e: {  	_ =	shalt  }
0x4f: {  	_ =	shalt  }
0x50: {  	_ =	shalt  }
0x51: {  	_ =	shalt  }
0x52: {  	_ =	shalt  }
0x53: {  	_ =	shalt  }
0x54: {  	_ =	shalt  }
0x55: {  	_ =	shalt  }
0x56: {  	_ =	shalt  }
0x57: {  	_ =	shalt  }
0x58: {  	_ =	shalt  }
0x59: {  	_ =	shalt  }
0x5a: {  	_ =	shalt  }
0x5b: {  	_ =	shalt  }
0x5c: {  	_ =	shalt  }
0x5d: {  	_ =	shalt  }
0x5e: {  	_ =	shalt  }
0x5f: {  	_ =	shalt  }
0x60: {  	_ =	shalt  }
0x61: {  	_ =	shalt  }
0x62: {  	_ =	shalt  }
0x63: {  	_ =	shalt  }
0x64: {  	_ =	shalt  }
0x65: {  	_ =	shalt  }
0x66: {  	_ =	shalt  }
0x67: {  	_ =	shalt  }
0x68: {  	_ =	shalt  }
0x69: {  	_ =	shalt  }
0x6a: {  	_ =	shalt  }
0x6b: {  	_ =	shalt  }
0x6c: {  	_ =	shalt  }
0x6d: {  	_ =	shalt  }
0x6e: {  	_ =	shalt  }
0x6f: {  	_ =	shalt  }
0x70: {  	_ =	shalt  }
0x71: {  	_ =	shalt  }
0x72: {  	_ =	shalt  }
0x73: {  	_ =	shalt  }
0x74: {  	_ =	shalt  }
0x75: {  	_ =	shalt  }
0x76: {  	_ =	shalt  }
0x77: {  	_ =	shalt  }
0x78: {  	_ =	shalt  }
0x79: {  	_ =	shalt  }
0x7a: {  	_ =	shalt  }
0x7b: {  	_ =	shalt  }
0x7c: {  	_ =	shalt  }
0x7d: {  	_ =	shalt  }
0x7e: {  	_ =	shalt  }
0x7f: {  	_ =	shalt  }
0x80: {  	_ =	shalt  }
0x81: {  	_ =	shalt  }
0x82: {  	_ =	shalt  }
0x83: {  	_ =	shalt  }
0x84: {  	_ =	shalt  }
0x85: {  	_ =	shalt  }
0x86: {  	_ =	shalt  }
0x87: {  	_ =	shalt  }
.Lfunc_end0:
.L_simem_size_0:
called_computation_lowered:
.L_overlay_start_0:
0x88: {  	s2 =	sld [smem:$0x3FD9]  }
0x89: {  	s3 =	sld [smem:$0x3FFE];
	_ =	sdelay $0x1  }
0x8a: {  	s1 =	srdreg.scid  }
0x8b: {  	s0 =	sand.u32 $0x1, s1  }
0x8c: {  	s18 =	sshll.u32 s0, $0xA;
	s2 =	sadd.s32 s3, s2  }
0x8d: {  	s2 =	sadd.s32 s2, s18  }
0x8e: {  	[smem:$0x3FC4] =	sst s2  }
0x8f: {  	_ = 	snop  }
0x90: {  	s2 =	sld [smem:$0x3FC9]  }
0x91: {  	s19 =	sld [smem:$0x3FC8]  }
0x92: {  	s4 =	sld [smem:$0x3FC7]  }
0x93: {  	s5 =	sld [smem:$0x3FC6]  }
0x94: {  	s6 =	sld [smem:$0x3FD0];
	(tm) =	ssettm $0x1  }
0x95: {  	s7 =	sld [smem:$0x3FFB];
	_ =	sdelay $0x3  }
0x96: {  	_ =	strace s7  }
0x97: {  	s7 =	sld [smem:$0x3FFC];
	_ =	sdelay $0x3  }
0x98: {  	_ =	strace s7  }
0x99: {  	s7 =	sld [smem:$0x3FFD];
	_ =	sdelay $0x3  }
0x9a: {  	_ =	strace s7  }
0x9b: {  	_ =	strace $0x8FFFFFFF  }
0x9c: {  	s20 =	sld [smem:$0x3FDB];
	_ =	sdelay $0x1  }
0x9d: {  	s8 =	simm.s32 $_scs_section_size  }
0x9e: {  	s9 =	simm.s32 $_size__tile_overlayer_lowered;
	s10 =	simm.s32 $_tile_overlayer_lowered  }
0x9f: {  	s23 =	simm.s32 $0x1BFF;
	s22 =	sshll.u32 s10, $0x1;
	s7 =	sadd.s32 s8, s20  }
0xa0: {  	s11 =	simm.s32 $0x0;
	s21 =	sshll.u32 s9, $0x1;
	s9 =	sadd.s32 s22, s7  }
0xa1: {  	[timem:s11], [sflag:s23] =	dma.local [hbm:s9], s21  }
0xa2: {  	_ =	swait.ge [sflag:s23], s21  }
0xa3: {  	s8 =	ssub.s32 $0x0, s21;
	[sflag:s23] =	ssyncset.done $0x0  }
0xa4: {  	[sflag:s23] =	ssyncadd.s32 s8;
	_ =	sdelay $0x1  }
0xa5: {  	s24 =	simm.s32 $0x1B8B  }
0xa6: {  	_ =	swait.ge [sflag:s24], $0x1  }
0xa7: {  	[sflag:s24] =	ssyncset.done $0x0  }
0xa8: {  	s25 =	simm.s32 $0x1B8E;
	[sflag:s24] =	ssyncadd.s32 $0xFFFFFFFF  }
0xa9: {  	s26 =	simm.s32 $execute0_lowered;
	[smem:$0x3FD2] =	sst s25  }
0xaa: {  	s8 =	sshll.u32 s26, $0x1;
	_ =	strace $0x80000046;
	[dreg:$0x1] =	wrdreg $0xFFFFFFFF  }
0xab: {  	s28 =	simm.s32 $_size_execute0_lowered;
	s7 =	sadd.s32 s7, s8;
	[dreg:$0x0] =	wrdreg $0x0  }
0xac: {  	s8 =	sshll.u32 s28, $0x1;
	[dreg:$0x2] =	wrdreg s7  }
0xad: {  	[dreg:$0x3] =	wrdreg s8  }
0xae: {  	[dreg:$0x4] =	wrdreg $0xC0  }
0xaf: {  	_ =	task [dreg:s11], $0x5FFFF  }
0xb0: {  	[dreg:$0x1] =	wrdreg $0xFFFFFFFF  }
0xb1: {  	[dreg:$0x0] =	wrdreg $0x60  }
0xb2: {  	[dreg:$0x2] =	wrdreg s2  }
0xb3: {  	[dreg:$0x3] =	wrdreg s19  }
0xb4: {  	[dreg:$0x4] =	wrdreg s4  }
0xb5: {  	[dreg:$0x5] =	wrdreg s5  }
0xb6: {  	[dreg:$0x6] =	wrdreg s6  }
0xb7: {  	[dreg:$0x7] =	wrdreg $0x9  }
0xb8: {  	_ =	task.clear_ibuf [dreg:s11], $0x8FFFF;
	_ =	strace $0x90000046  }
0xb9: {  	s29 =	simm.s32 $0x9;
	_ =	strace $0x80000048  }
0xba: {  	_ =	swait.ge [sflag:s29], $0x1  }
0xbb: {  	[sflag:s29] =	ssyncadd.s32 $0xFFFFFFFF  }
0xbc: {  	_ =	strace $0x90000048  }
0xbd: {  	_ =	sfence  }
0xbe: {  	s30 =	sld [smem:$0x0];
	_ =	sdelay $0x2  }
0xbf: {  	s31 =	sshll.u32 s1, $0xD;
	s1 =	sshrl.u32 s1, $0x2  }
0xc0: {  	s3 =	sand.u32 $0x4000, s31;
	s1 =	sadd.s32 s1, s30  }
0xc1: {  	s0 =	sor.u32 s3, s0;
	s1 =	sshll.u32 s1, $0x11  }
0xc2: {  	s0 =	sor.u32 s1, s0  }
0xc3: {  	s0 =	sadd.s32 $0x8F2B, s0  }
0xc4: {  	[sflag:s0] =	ssyncadd.remote.s32 $0x1  }
0xc5: {  	_ =	sfence.sel $0xFFFF  }
0xc6: {  	[dreg:$0x0] =	wrdreg $0xFFFFFFFF;
	(pc) =	sbr.abs _section_cstart, $3  }
0xc7: {  	[dreg:$0x1] =	wrdreg $0xFFFFFFFF  }
0xc8: {  	_ =	task.clear_ibuf [dreg:s11], $0x2FFFF;
	_ =	strace $0x9FFFFFFF  }
0xc9: {  	(tm) =	ssettm $0x7FFFFFFF  }
tec
execute0_lowered:
.L_overlay_start_1:
0x0: {  	(tag) =	ssettag $0x1  }
0x1: {  	s7 =	rddreg [dreg:$0x0]  }
0x2: {  	s8 =	rddreg [dreg:$0x1]  }
0x3: {  	s1 =	rddreg [dreg:$0x2]  }
0x4: {  	s2 =	rddreg [dreg:$0x3]  }
0x5: {  	s3 =	rddreg [dreg:$0x4]  }
0x6: {  	s4 =	srdreg.scid;
	s0 =	rddreg [dreg:$0x5];
	s5 =	simm.s32 $0x0  }
0x7: {  	s12 =	simm.s32 $0x80;
	s13 =	simm.s32 $0x6480;
	s14 =	simm.s32 $0x5  }
0x8: {  	s15 =	simm.s32 $0xA480;
	s16 =	simm.s32 $0x48;
	s17 =	simm.s32 $0xE480  }
0x9: {  	s18 =	simm.s32 $0x10880;
	s19 =	simm.s32 $0x14880;
	s20 =	simm.s32 $0x1  }
0xa: {  	s21 =	simm.s32 $0x2;
	s22 =	simm.s32 $0x3;
	s6 =	sand.u32 $0x1, s4  }
0xb: {  	s23 =	simm.s32 $0x4;
	s4 =	stileid.u32;
	s9 =	sshll.u32 s6, $0x4  }
0xc: {  	s24 =	simm.s32 $0x0;
	s6 =	ssub.s32 $0x2, s6;
	s9 =	sor.u32 s4, s9  }
0xd: {  	[smem:$0x7FF] =	sst s5;
	s10 =	sshrl.u32 s6, $0x1;
	s11 =	smul.u32 $0xC80, s9  }
0xe: {  	s10 =	ssub.s32 s6, s10;
	s6 =	sshll.u32 s9, $0x7;
	s9 =	sshll.u32 s9, $0x4  }
0xf: {  	_ =	strace $0x80000047;
	s8 =	sadd.s32 s8, s9;
	s9 =	smax.u32 s10, $0x1  }
0x10: {  	s10 =	simm.s32 $0x6;
	s7 =	sadd.s32 s7, s11;
	s11 =	simm.s32 $0x6400  }
.LBB2_1:
0x11: {  	[tilespmem:s5], [sflag:$0x6] =	stream.linear.gather [hbm4b:s7+s5], $0x6400, $0x38;
	[tilespmem:$0x16C80] =	vst v63  }
0x12: {  	_ =	swait.ge [sflag:s10], $0x6400  }
0x13: {  	[sflag:s10] =	ssyncset.done $0x0  }
0x14: {  	[sflag:s10] =	ssyncadd.s32 $0xFFFF9C00  }
0x15: {  	[tilespmem:s11], [sflag:$0x6] =	stream.linear.gather [hbm4b:s8+s5], $0x80, $0x38;
	[tilespmem:$0x16C80] =	vst v63  }
0x16: {  	_ =	swait.ge [sflag:s10], $0x80  }
0x17: {  	[sflag:s10] =	ssyncset.done $0x0  }
0x18: {  	[sflag:s10] =	ssyncadd.s32 $0xFFFFFF80  }
0x19: {  	[tilespmem:s13], [sflag:$0x5] =	stream.indirect.gather [hbm4b:s2+s12], $0x80, s11, s12, $0xb8;
	[tilespmem:$0x16C80] =	vst v63  }
0x1a: {  	_ =	swait.ge [sflag:s14], $0x4000  }
0x1b: {  	[sflag:s14] =	ssyncset.done $0x0  }
0x1c: {  	[sflag:s14] =	ssyncadd.s32 $0xFFFFC000  }
0x1d: {  	[tilespmem:s15], [sflag:$0x1] =	stream.indirect.gather [hbm4b:s1+s12], $0x80, s5, s12, $0xb8;
	[tilespmem:$0x16C80] =	vst v63  }
0x1e: {  	s25 =	simm.s32 $0x0  }
0x1f: {  	[tilespmem:s17], [sflag:$0x1] =	stream.indirect.gather [hbm4b:s1+s16], $0x80, s12, s16, $0xb8;
	[tilespmem:$0x16C80] =	vst v63  }
.LBB2_2:
0x20: {  	s28 =	sshll.u32 s25, $0x1;
	p0 =	seq.s32 s25, $0x0  }
0x21: {  	s29 =	simm.s32 @!p0 $0x4;
	s26 =	sor.u32 $0x1, s28  }
0x22: {  	_ =	swait.ge @!p0 [sflag:s29], $0x6400;
	s30 =	smul.u32 $0x320, s26  }
0x23: {  	[sflag:s29] =	ssyncset.done @!p0 $0x0  }
0x24: {  	[sflag:s29] =	ssyncadd.s32 @!p0 $0xFFFF9C00;
	s29 =	sshra.s32 s30, $0x2  }
0x25: {  	[tilespmem:s18], [sflag:$0x2] =	stream.indirect.gather [hbm4b:s1+s12], $0x80, s29, s12, $0xb8;
	[tilespmem:$0x16C80] =	vst v63  }
0x26: {  	s29 =	sadd.s32 $0x80, s29  }
0x27: {  	[tilespmem:s19], [sflag:$0x2] =	stream.indirect.gather [hbm4b:s1+s16], $0x80, s29, s16, $0xb8;
	[tilespmem:$0x16C80] =	vst v63  }
0x28: {  	_ =	swait.ge [sflag:s20], $0x4000  }
0x29: {  	[sflag:s20] =	ssyncset.done $0x0  }
0x2a: {  	[sflag:s20] =	ssyncadd.s32 $0xFFFFC000  }
0x2b: {  	_ =	swait.ge [sflag:s20], $0x2400  }
0x2c: {  	s29 =	sshll.u32 s25, $0x8;
	[sflag:s20] =	ssyncset.done $0x0  }
0x2d: {  	s29 =	sand.u32 $0x3FFFFF00, s29;
	[sflag:s20] =	ssyncadd.s32 $0xFFFFDC00  }
0x2e: {  	v6 =	vld [tilespmem:s29+$0x6480]  }
0x2f: {  	v7 =	vld [tilespmem:s29+$0x6490]  }
0x30: {  	v5 =	vld [tilespmem:s29+$0x64A0]  }
0x31: {  	v4 =	vld [tilespmem:s29+$0x64B0]  }
0x32: {  	v3 =	vld [tilespmem:s29+$0x64C0]  }
0x33: {  	v2 =	vld [tilespmem:s29+$0x64D0]  }
0x34: {  	v1 =	vld [tilespmem:s29+$0x64E0]  }
0x35: {  	v0 =	vld [tilespmem:s29+$0x64F0];
	s29 =	simm.s32 $0x0  }
0x36: {  	v11 =	vld [tilespmem:s29+$0xA480]  }
0x37: {  	v13 =	vld [tilespmem:s29+$0xA490]  }
0x38: {  	v12 =	vld [tilespmem:s29+$0xA4A0]  }
0x39: {  	v10 =	vld [tilespmem:s29+$0xA4B0]  }
0x3a: {  	v8 =	vld [tilespmem:s29+$0xA4C0]  }
0x3b: {  	v9 =	vld [tilespmem:s29+$0xA4D0];
	v14 =	vadd.f32 v11, v6  }
0x3c: {  	s30 =	simm.s32 $0x200;
	v13 =	vadd.f32 v13, v7;
	v11 =	vld [tilespmem:s29+$0xA4E0]  }
.LBB2_3:
0x3d: {  	s31 =	sshra.s32 s30, $0x2;
	p0 =	sne.s32 s30, $0x18E00;
	[tilespmem:s29+$0xA480] =	vst v14;
	v12 =	vadd.f32 v12, v5;
	v14 =	vld [tilespmem:s29+$0xA4F0]  }
0x3e: {  	v15 =	vld [tilespmem:s31+$0xA480];
	[tilespmem:s29+$0xA490] =	vst v13;
	v10 =	vadd.f32 v10, v4  }
0x3f: {  	v13 =	vld [tilespmem:s31+$0xA490];
	[tilespmem:s29+$0xA4A0] =	vst v12;
	v8 =	vadd.f32 v8, v3  }
.Ltmp0:
0x40: {  	v12 =	vld [tilespmem:s31+$0xA4A0];
	[tilespmem:s29+$0xA4B0] =	vst v10;
	v9 =	vadd.f32 v9, v2;
	(pc) =	sbr.rel @p0 .LBB2_3-.Ltmp0, $4  }
0x41: {  	v10 =	vld [tilespmem:s31+$0xA4B0];
	[tilespmem:s29+$0xA4C0] =	vst v8;
	v11 =	vadd.f32 v11, v1  }
0x42: {  	v8 =	vld [tilespmem:s31+$0xA4C0];
	[tilespmem:s29+$0xA4D0] =	vst v9;
	v16 =	vadd.f32 v14, v0  }
0x43: {  	v14 =	vadd.f32 v15, v6;
	v9 =	vld [tilespmem:s31+$0xA4D0];
	[tilespmem:s29+$0xA4E0] =	vst v11  }
0x44: {  	s30 =	sadd.s32 $0x200, s30;
	v13 =	vadd.f32 v13, v7;
	v11 =	vld [tilespmem:s31+$0xA4E0];
	[tilespmem:s29+$0xA4F0] =	vst v16;
	s29 =	smov.u32 s31  }
0x45: {  	[tilespmem:s29+$0xA480] =	vst v14;
	v5 =	vadd.f32 v12, v5;
	v6 =	vld [tilespmem:s29+$0xA4F0]  }
0x46: {  	[tilespmem:s29+$0xA490] =	vst v13;
	v4 =	vadd.f32 v10, v4  }
0x47: {  	[tilespmem:s29+$0xA4A0] =	vst v5;
	v3 =	vadd.f32 v8, v3  }
0x48: {  	[tilespmem:s29+$0xA4B0] =	vst v4;
	v2 =	vadd.f32 v9, v2  }
0x49: {  	s28 =	sadd.s32 s6, s28;
	[tilespmem:s29+$0xA4C0] =	vst v3;
	v1 =	vadd.f32 v11, v1  }
0x4a: {  	s28 =	smul.u32 $0xC80, s28;
	[tilespmem:s29+$0xA4D0] =	vst v2;
	v0 =	vadd.f32 v6, v0  }
0x4b: {  	[tilespmem:s29+$0xA4E0] =	vst v1  }
0x4c: {  	p0 =	seq.s32 s25, $0x3F;
	s28 =	sadd.s32 s3, s28;
	[tilespmem:s29+$0xA4F0] =	vst v0  }
0x4d: {  	[hbm4b:s28+s5] =	stream.linear.scatter [tilespmem:s15], [sflag:$0x3], $0x6400, $0x38;
	[tilespmem:$0x16C80] =	vst v63  }
0x4e: {  	s28 =	simm.s32 @!p0 $0x3  }
0x4f: {  	s29 =	smul.u32 @!p0 $0x640, s25;
	_ =	swait.ge @!p0 [sflag:s28], $0x6400  }
0x50: {  	[sflag:s28] =	ssyncset.done @!p0 $0x0  }
0x51: {  	[sflag:s28] =	ssyncadd.s32 @!p0 $0xFFFF9C00;
	s28 =	sshra.s32 @!p0 s29, $0x2  }
0x52: {  	s30 =	simm.s32 @!p0 $0x80;
	s31 =	simm.s32 @!p0 $0xA480;
	s29 =	sadd.s32 @!p0 $0x190, s28  }
0x53: {  	[tilespmem:s31], [sflag:$0x1] =	stream.indirect.gather @!p0 [hbm4b:s1+s30], $0x80, s29, s30, $0xb8;
	[tilespmem:$0x16C80] =	vst v63  }
0x54: {  	s28 =	sadd.s32 @!p0 $0x210, s28;
	s29 =	simm.s32 @!p0 $0x48;
	s30 =	simm.s32 @!p0 $0xE480  }
0x55: {  	[tilespmem:s30], [sflag:$0x1] =	stream.indirect.gather @!p0 [hbm4b:s1+s29], $0x80, s28, s29, $0xb8;
	[tilespmem:$0x16C80] =	vst v63  }
0x56: {  	_ =	swait.ge [sflag:s21], $0x4000  }
0x57: {  	[sflag:s21] =	ssyncset.done $0x0  }
0x58: {  	[sflag:s21] =	ssyncadd.s32 $0xFFFFC000  }
0x59: {  	_ =	swait.ge [sflag:s21], $0x2400  }
0x5a: {  	s28 =	sshll.u32 s26, $0x7;
	[sflag:s21] =	ssyncset.done $0x0  }
0x5b: {  	s28 =	sand.u32 $0x3FFFFF80, s28;
	[sflag:s21] =	ssyncadd.s32 $0xFFFFDC00  }
0x5c: {  	v6 =	vld [tilespmem:s28+$0x6480]  }
0x5d: {  	v7 =	vld [tilespmem:s28+$0x6490]  }
0x5e: {  	v5 =	vld [tilespmem:s28+$0x64A0]  }
0x5f: {  	v4 =	vld [tilespmem:s28+$0x64B0]  }
0x60: {  	v3 =	vld [tilespmem:s28+$0x64C0]  }
0x61: {  	v2 =	vld [tilespmem:s28+$0x64D0]  }
0x62: {  	v1 =	vld [tilespmem:s28+$0x64E0]  }
0x63: {  	v0 =	vld [tilespmem:s28+$0x64F0];
	s28 =	simm.s32 $0x0  }
0x64: {  	v11 =	vld [tilespmem:s28+$0x10880]  }
0x65: {  	v13 =	vld [tilespmem:s28+$0x10890]  }
0x66: {  	v12 =	vld [tilespmem:s28+$0x108A0]  }
0x67: {  	v10 =	vld [tilespmem:s28+$0x108B0]  }
0x68: {  	v8 =	vld [tilespmem:s28+$0x108C0]  }
0x69: {  	v9 =	vld [tilespmem:s28+$0x108D0];
	v14 =	vadd.f32 v11, v6  }
0x6a: {  	s29 =	simm.s32 $0x200;
	v13 =	vadd.f32 v13, v7;
	v11 =	vld [tilespmem:s28+$0x108E0]  }
.LBB2_5:
0x6b: {  	s30 =	sshra.s32 s29, $0x2;
	p0 =	sne.s32 s29, $0x18E00;
	[tilespmem:s28+$0x10880] =	vst v14;
	v12 =	vadd.f32 v12, v5;
	v14 =	vld [tilespmem:s28+$0x108F0]  }
0x6c: {  	v15 =	vld [tilespmem:s30+$0x10880];
	[tilespmem:s28+$0x10890] =	vst v13;
	v10 =	vadd.f32 v10, v4  }
0x6d: {  	v13 =	vld [tilespmem:s30+$0x10890];
	[tilespmem:s28+$0x108A0] =	vst v12;
	v8 =	vadd.f32 v8, v3  }
.Ltmp1:
0x6e: {  	v12 =	vld [tilespmem:s30+$0x108A0];
	[tilespmem:s28+$0x108B0] =	vst v10;
	v9 =	vadd.f32 v9, v2;
	(pc) =	sbr.rel @p0 .LBB2_5-.Ltmp1, $4  }
0x6f: {  	v10 =	vld [tilespmem:s30+$0x108B0];
	[tilespmem:s28+$0x108C0] =	vst v8;
	v11 =	vadd.f32 v11, v1  }
0x70: {  	v8 =	vld [tilespmem:s30+$0x108C0];
	[tilespmem:s28+$0x108D0] =	vst v9;
	v16 =	vadd.f32 v14, v0  }
0x71: {  	v14 =	vadd.f32 v15, v6;
	v9 =	vld [tilespmem:s30+$0x108D0];
	[tilespmem:s28+$0x108E0] =	vst v11  }
0x72: {  	s29 =	sadd.s32 $0x200, s29;
	v13 =	vadd.f32 v13, v7;
	v11 =	vld [tilespmem:s30+$0x108E0];
	[tilespmem:s28+$0x108F0] =	vst v16;
	s28 =	smov.u32 s30  }
0x73: {  	[tilespmem:s28+$0x10880] =	vst v14;
	v5 =	vadd.f32 v12, v5;
	v6 =	vld [tilespmem:s28+$0x108F0]  }
0x74: {  	[tilespmem:s28+$0x10890] =	vst v13;
	v4 =	vadd.f32 v10, v4  }
0x75: {  	s25 =	sadd.s32 $0x1, s25;
	[tilespmem:s28+$0x108A0] =	vst v5;
	v3 =	vadd.f32 v8, v3  }
0x76: {  	p0 =	sne.s32 s25, $0x40;
	[tilespmem:s28+$0x108B0] =	vst v4;
	v2 =	vadd.f32 v9, v2  }
.Ltmp2:
0x77: {  	s26 =	sadd.s32 s6, s26;
	[tilespmem:s28+$0x108C0] =	vst v3;
	v1 =	vadd.f32 v11, v1;
	(pc) =	sbr.rel @p0 .LBB2_2-.Ltmp2, $4  }
0x78: {  	s26 =	smul.u32 $0xC80, s26;
	[tilespmem:s28+$0x108D0] =	vst v2;
	v0 =	vadd.f32 v6, v0  }
0x79: {  	[tilespmem:s28+$0x108E0] =	vst v1  }
0x7a: {  	s26 =	sadd.s32 s3, s26;
	[tilespmem:s28+$0x108F0] =	vst v0  }
0x7b: {  	[hbm4b:s26+s5] =	stream.linear.scatter [tilespmem:s18], [sflag:$0x4], $0x6400, $0x38;
	[tilespmem:$0x16C80] =	vst v63  }
0x7c: {  	s24 =	sadd.s32 $0x1, s24  }
0x7d: {  	_ =	swait.ge [sflag:s22], $0x6400;
	p0 =	sne.s32 s24, s9  }
.Ltmp3:
0x7e: {  	[sflag:s22] =	ssyncset.done $0x0;
	(pc) =	sbr.rel @p0 .LBB2_1-.Ltmp3, $4  }
0x7f: {  	[sflag:s22] =	ssyncadd.s32 $0xFFFF9C00  }
0x80: {  	_ =	swait.ge [sflag:s23], $0x6400  }
0x81: {  	[sflag:s23] =	ssyncset.done $0x0  }
0x82: {  	[sflag:s23] =	ssyncadd.s32 $0xFFFF9C00  }
0x83: {  	_ =	sfence.sel $0x180000  }
0x84: {  	[bflag:$0x0] =	sbarrier.arrive $0xFFFF  }
0x85: {  	p0 =	sne.s32 s4, $0x0;
	_ =	strace $0x90000047  }
0x86: {  	s0 =	sadd.s32 @!p0 $0x100000, s0;
	[bflag:$0x2] =	sbarrier.arrive $0xFFFF  }
0x87: {  	[sflag:s0] =	ssyncadd.tile.s32 @!p0 $0x1;
	_ =	shalt  }
.Lfunc_end2:
_tile_overlayer_lowered:
.L_overlay_start_2:
0x88: {  	(tag) =	ssettag $0x2  }
0x89: {  	s0 =	rddreg [dreg:$0x0];
	s2 =	stileid.u32  }
0x8a: {  	s1 =	rddreg [dreg:$0x1];
	p0 =	sne.s32 s2, $0x0  }
0x8b: {  	s3 =	rddreg [dreg:$0x2];
	[bflag:$0x3] =	sbarrier.arrive $0xFFFF;
	s2 =	simm.s32 @!p0 $0x1C06  }
0x8c: {  	[timem:s3], [sflag:s2] =	dma.local @!p0 [hbm:s0], s1  }
0x8d: {  	s0 =	simm.s32 @!p0 $0x6  }
0x8e: {  	_ =	swait.ge @!p0 [sflag:s0], s1  }
0x8f: {  	s1 =	ssub.s32 @!p0 $0x0, s1;
	[sflag:s0] =	ssyncset.done @!p0 $0x0  }
0x90: {  	[sflag:s0] =	ssyncadd.s32 @!p0 s1  }
0x91: {  	[bflag:$0x3] =	sbarrier.arrive $0xFFFF  }
0x92: {  	_ =	shalt  }

</sc_bundles>
